<compile_context>
chip_gen: v7x
topology: tpu7x:2x2x1
jax: 0.10.2.dev20260603
libtpu: 0.0.44.dev20260713+nightly
codegen_flags: <defaults>
</compile_context>

<pallas_src>
import functools

import jax
import jax.numpy as jnp
from jax import lax
from jax.experimental import pallas as pl
from jax.experimental.pallas import tpu as pltpu
from jax.experimental.pallas import tpu_sc as plsc

SEQ = 200
BATCH = 4096
EMB = 64
HID = 20
NUM_LABEL = 10

_NUM_CORES = 2
_NUM_SUBCORES = 16
_NUM_WORKERS = _NUM_CORES * _NUM_SUBCORES
_CHUNK = BATCH // _NUM_WORKERS
_LANES = 16


def _gather_pool_body(docs_hbm, table_hbm, out_hbm, docs_v, rows0, rows1,
                      acc, sem0, sem1):
    wid = lax.axis_index("s") * _NUM_CORES + lax.axis_index("c")
    base = wid * _CHUNK

    pltpu.sync_copy(docs_hbm.at[:, pl.ds(base, _CHUNK)], docs_v)

    zero = jnp.zeros((_LANES,), jnp.float32)

    def zrow(r, carry):
        for k in range(EMB // _LANES):
            acc[r, pl.ds(k * _LANES, _LANES)] = zero
        return carry

    lax.fori_loop(0, _CHUNK, zrow, 0, unroll=4)

    pltpu.async_copy(table_hbm.at[docs_v.at[0]], rows0, sem0)
    pltpu.async_copy(table_hbm.at[docs_v.at[1]], rows1, sem1)

    def accumulate(rows):
        def row(r, carry):
            for k in range(EMB // _LANES):
                sl = pl.ds(k * _LANES, _LANES)
                plsc.addupdate(acc.at[r, sl], rows[r, sl])
            return carry

        lax.fori_loop(0, _CHUNK, row, 0, unroll=4)

    def pair(p, carry):
        s0 = 2 * p
        for buf, sem, s in ((rows0, sem0, s0), (rows1, sem1, s0 + 1)):
            pltpu.make_async_copy(table_hbm.at[docs_v.at[s]], buf, sem).wait()
            accumulate(buf)

            @pl.when(s + 2 < SEQ)
            def _():
                pltpu.async_copy(table_hbm.at[docs_v.at[s + 2]], buf, sem)

        return carry

    lax.fori_loop(0, SEQ // 2, pair, 0)

    pltpu.sync_copy(acc, out_hbm.at[pl.ds(base, _CHUNK), :])


@jax.jit
def _gather_pool(docs, emb_table):
    mesh = plsc.VectorSubcoreMesh(core_axis_name="c", subcore_axis_name="s")
    kern = functools.partial(
        pl.kernel,
        mesh=mesh,
        out_type=jax.ShapeDtypeStruct((BATCH, EMB), jnp.float32),
        scratch_types=[
            pltpu.VMEM((SEQ, _CHUNK), jnp.int32),
            pltpu.VMEM((_CHUNK, EMB), jnp.float32),
            pltpu.VMEM((_CHUNK, EMB), jnp.float32),
            pltpu.VMEM((_CHUNK, EMB), jnp.float32),
            pltpu.SemaphoreType.DMA,
            pltpu.SemaphoreType.DMA,
        ],
        compiler_params=pltpu.CompilerParams(use_tc_tiling_on_sc=False),
    )(_gather_pool_body)
    return kern(docs, emb_table)


def _mlp_body(x_ref, w1t_ref, b1_ref, w2t_ref, b2_ref, o_ref):
    x = x_ref[...] * (1.0 / SEQ)
    h = jnp.dot(x, w1t_ref[...], preferred_element_type=jnp.float32)
    h = jnp.maximum(h + b1_ref[...], 0.0)
    o = jnp.dot(h, w2t_ref[...], preferred_element_type=jnp.float32)
    o_ref[...] = o + b2_ref[...]


@jax.jit
def _mlp(pooled_sum, W1, b1, W2, b2):
    return pl.pallas_call(
        _mlp_body,
        out_shape=jax.ShapeDtypeStruct((BATCH, NUM_LABEL), jnp.float32),
    )(pooled_sum, W1.T, b1[None, :], W2.T, b2[None, :])


def kernel(docs, emb_table, W1, b1, W2, b2):
    pooled_sum = _gather_pool(docs, emb_table)
    return _mlp(pooled_sum, W1, b1, W2, b2)

# --- scband reference (transcript-rebuilt; emitter-appended) ---
"""Pipeline reference for scband-cbo-wtext-classifier-12275016532010 (READ-ONLY COPY).

The authoritative reference and input builder live on the scoring server;
editing this copy changes nothing except your own understanding.
"""

import jax, jax.numpy as jnp
import numpy as np

VOCAB = 1000000
EMB = 64
HID = 20
NUM_LABEL = 10
SEQ = 200
BATCH = 4096

def setup_inputs(seed: int = 0) -> dict:
    key = jax.random.key(seed)
    k_docs, k_emb, k_w1, k_b1, k_w2, k_b2 = jax.random.split(key, 6)
    docs = jax.random.randint(k_docs, (SEQ, BATCH), 0, VOCAB, dtype=jnp.int64 if jax.config.jax_enable_x64 else jnp.int32).astype(jnp.int32)
    emb_table = jax.random.normal(k_emb, (VOCAB, EMB), dtype=jnp.float32)
    # nn.Linear default init scale approximated with uniform(-1/sqrt(fan_in), 1/sqrt(fan_in))
    lim1 = 1.0 / np.sqrt(EMB)
    W1 = jax.random.uniform(k_w1, (HID, EMB), minval=-lim1, maxval=lim1, dtype=jnp.float32)
    b1 = jax.random.uniform(k_b1, (HID,), minval=-lim1, maxval=lim1, dtype=jnp.float32)
    lim2 = 1.0 / np.sqrt(HID)
    W2 = jax.random.uniform(k_w2, (NUM_LABEL, HID), minval=-lim2, maxval=lim2, dtype=jnp.float32)
    b2 = jax.random.uniform(k_b2, (NUM_LABEL,), minval=-lim2, maxval=lim2, dtype=jnp.float32)
    return {"docs": docs, "emb_table": emb_table, "W1": W1, "b1": b1, "W2": W2, "b2": b2}

def reference(docs, emb_table, W1, b1, W2, b2):
    # embedding lookup: gather rows of emb_table
    embedded = jnp.take(emb_table, docs, axis=0)          # [SEQ, BATCH, EMB]
    pool_out = embedded.mean(axis=0)                       # [BATCH, EMB]
    # dropout in eval mode == identity
    hidden = jax.nn.relu(pool_out @ W1.T + b1)             # [BATCH, HID]
    preds = hidden @ W2.T + b2                             # [BATCH, NUM_LABEL]
    return preds

if __name__ == "__main__":
    import jax
    _d = setup_inputs()
    print(jax.jit(kernel)(*tuple(_d.values())))

</pallas_src>

<mosaic_0001>
#map = affine_map<(d0, d1) -> (0, 0)>
module attributes {stable_mosaic.version = 14 : i64} {
  func.func @_gather_pool_body(%arg0: i32, %arg1: i32, %arg2: memref<200x4096xi32, #tpu.memory_space<hbm>>, %arg3: memref<1000000x64xf32, #tpu.memory_space<hbm>>, %arg4: memref<4096x64xf32, #tpu.memory_space<hbm>>, %arg5: memref<200x128xi32, #tpu.memory_space<vmem>>, %arg6: memref<128x64xf32, #tpu.memory_space<vmem>>, %arg7: memref<128x64xf32, #tpu.memory_space<vmem>>, %arg8: memref<128x64xf32, #tpu.memory_space<vmem>>, %arg9: memref<!tpu.dma_semaphore, #tpu.memory_space<semaphore_mem>>, %arg10: memref<!tpu.dma_semaphore, #tpu.memory_space<semaphore_mem>>) attributes {dimension_semantics = [#tpu.dimension_semantics<core_parallel>, #tpu.dimension_semantics<subcore_parallel>], iteration_bounds = array<i64: 2, 16>, scalar_prefetch = 0 : i64, scratch_operands = 6 : i64, tpu.core_type = #tpu.core_type<sc_vector_subcore>, window_params = [{transform_indices = #map}, {transform_indices = #map}, {transform_indices = #map}]} {
    %mul3A = arith.constant 2 : i32
    %mul3A_0 = arith.muli %arg1, %mul3A : i32
    %add3A = arith.addi %mul3A_0, %arg0 : i32
    %mul3A_1 = arith.constant 128 : i32
    %mul3A_2 = arith.muli %add3A, %mul3A_1 : i32
    "tpu.region"() ({
      %run_scoped3A = tpu.sem_alloc : memref<!tpu.dma_semaphore, #tpu.memory_space<semaphore_mem>>
      %dma_start3A_28 = arith.constant 0 : i32
      %dma_start3A_29 = tpu.memref_slice %arg2[%dma_start3A_28, %mul3A_2] : memref<200x4096xi32, #tpu.memory_space<hbm>> -> memref<200x128xi32, #tpu.memory_space<hbm>>
      %dma_start3A_30 = arith.constant 0 : i32
      %dma_start3A_31 = tpu.memref_slice %arg2[%dma_start3A_30, %mul3A_2] : memref<200x4096xi32, #tpu.memory_space<hbm>> -> memref<200x128xi32, #tpu.memory_space<hbm>>
      tpu.enqueue_dma source(%dma_start3A_31 : memref<200x128xi32, #tpu.memory_space<hbm>>) target(%arg5 : memref<200x128xi32, #tpu.memory_space<vmem>>) target_semaphore(%run_scoped3A : memref<!tpu.dma_semaphore, #tpu.memory_space<semaphore_mem>>)
      %dma_wait3A = arith.constant 0 : i32
      %dma_wait3A_32 = tpu.memref_slice %arg2[%dma_wait3A, %mul3A_2] : memref<200x4096xi32, #tpu.memory_space<hbm>> -> memref<200x128xi32, #tpu.memory_space<hbm>>
      %dma_wait3A_33 = arith.constant 0 : i32
      %dma_wait3A_34 = tpu.memref_slice %arg2[%dma_wait3A_33, %mul3A_2] : memref<200x4096xi32, #tpu.memory_space<hbm>> -> memref<200x128xi32, #tpu.memory_space<hbm>>
      tpu.wait_dma2 semaphore(%run_scoped3A : memref<!tpu.dma_semaphore, #tpu.memory_space<semaphore_mem>>) src(%dma_wait3A_34 : memref<200x128xi32, #tpu.memory_space<hbm>>) dst(%arg5 : memref<200x128xi32, #tpu.memory_space<vmem>>)
      tpu.yield
    }) : () -> ()
    %broadcast_in_dim3A = arith.constant 0.000000e+00 : f32
    %broadcast_in_dim3A_3 = vector.broadcast %broadcast_in_dim3A : f32 to vector<16xf32>
    %scan3A = arith.constant 0 : i32
    %scan3A_4 = arith.constant 0 : i32
    %scan3A_5 = arith.constant 128 : i32
    %scan3A_6 = arith.addi %scan3A_4, %scan3A_5 : i32
    %scan3A_7 = arith.constant 4 : i32
    scf.for %scan3A_28 = %scan3A_4 to %scan3A_6 step %scan3A_7  : i32 {
      %swap3A = arith.index_cast %scan3A_28 : i32 to index
      %swap3A_29 = arith.constant 0 : index
      %swap3A_30 = tpu.vector_load %arg8[%swap3A, %swap3A_29] {strides = array<i32>} : memref<128x64xf32, #tpu.memory_space<vmem>>, vector<1x16xf32>,
      %swap3A_31 = vector.shape_cast %swap3A_30 : vector<1x16xf32> to vector<16xf32>
      %swap3A_32 = vector.shape_cast %broadcast_in_dim3A_3 : vector<16xf32> to vector<1x16xf32>
      tpu.vector_store %arg8[%swap3A, %swap3A_29], %swap3A_32 {strides = array<i32>} : memref<128x64xf32, #tpu.memory_space<vmem>>, vector<1x16xf32>,
      %swap3A_33 = arith.index_cast %scan3A_28 : i32 to index
      %swap3A_34 = arith.constant 16 : index
      %swap3A_35 = tpu.vector_load %arg8[%swap3A_33, %swap3A_34] {strides = array<i32>} : memref<128x64xf32, #tpu.memory_space<vmem>>, vector<1x16xf32>,
      %swap3A_36 = vector.shape_cast %swap3A_35 : vector<1x16xf32> to vector<16xf32>
      %swap3A_37 = vector.shape_cast %broadcast_in_dim3A_3 : vector<16xf32> to vector<1x16xf32>
      tpu.vector_store %arg8[%swap3A_33, %swap3A_34], %swap3A_37 {strides = array<i32>} : memref<128x64xf32, #tpu.memory_space<vmem>>, vector<1x16xf32>,
      %swap3A_38 = arith.index_cast %scan3A_28 : i32 to index
      %swap3A_39 = arith.constant 32 : index
      %swap3A_40 = tpu.vector_load %arg8[%swap3A_38, %swap3A_39] {strides = array<i32>} : memref<128x64xf32, #tpu.memory_space<vmem>>, vector<1x16xf32>,
      %swap3A_41 = vector.shape_cast %swap3A_40 : vector<1x16xf32> to vector<16xf32>
      %swap3A_42 = vector.shape_cast %broadcast_in_dim3A_3 : vector<16xf32> to vector<1x16xf32>
      tpu.vector_store %arg8[%swap3A_38, %swap3A_39], %swap3A_42 {strides = array<i32>} : memref<128x64xf32, #tpu.memory_space<vmem>>, vector<1x16xf32>,
      %swap3A_43 = arith.index_cast %scan3A_28 : i32 to index
      %swap3A_44 = arith.constant 48 : index
      %swap3A_45 = tpu.vector_load %arg8[%swap3A_43, %swap3A_44] {strides = array<i32>} : memref<128x64xf32, #tpu.memory_space<vmem>>, vector<1x16xf32>,
      %swap3A_46 = vector.shape_cast %swap3A_45 : vector<1x16xf32> to vector<16xf32>
      %swap3A_47 = vector.shape_cast %broadcast_in_dim3A_3 : vector<16xf32> to vector<1x16xf32>
      tpu.vector_store %arg8[%swap3A_43, %swap3A_44], %swap3A_47 {strides = array<i32>} : memref<128x64xf32, #tpu.memory_space<vmem>>, vector<1x16xf32>,
      %scan3A_48 = arith.constant 1 : i32
      %scan3A_49 = arith.addi %scan3A_28, %scan3A_48 : i32
      %swap3A_50 = arith.index_cast %scan3A_49 : i32 to index
      %swap3A_51 = arith.constant 0 : index
      %swap3A_52 = tpu.vector_load %arg8[%swap3A_50, %swap3A_51] {strides = array<i32>} : memref<128x64xf32, #tpu.memory_space<vmem>>, vector<1x16xf32>,
      %swap3A_53 = vector.shape_cast %swap3A_52 : vector<1x16xf32> to vector<16xf32>
      %swap3A_54 = vector.shape_cast %broadcast_in_dim3A_3 : vector<16xf32> to vector<1x16xf32>
      tpu.vector_store %arg8[%swap3A_50, %swap3A_51], %swap3A_54 {strides = array<i32>} : memref<128x64xf32, #tpu.memory_space<vmem>>, vector<1x16xf32>,
      %swap3A_55 = arith.index_cast %scan3A_49 : i32 to index
      %swap3A_56 = arith.constant 16 : index
      %swap3A_57 = tpu.vector_load %arg8[%swap3A_55, %swap3A_56] {strides = array<i32>} : memref<128x64xf32, #tpu.memory_space<vmem>>, vector<1x16xf32>,
      %swap3A_58 = vector.shape_cast %swap3A_57 : vector<1x16xf32> to vector<16xf32>
      %swap3A_59 = vector.shape_cast %broadcast_in_dim3A_3 : vector<16xf32> to vector<1x16xf32>
      tpu.vector_store %arg8[%swap3A_55, %swap3A_56], %swap3A_59 {strides = array<i32>} : memref<128x64xf32, #tpu.memory_space<vmem>>, vector<1x16xf32>,
      %swap3A_60 = arith.index_cast %scan3A_49 : i32 to index
      %swap3A_61 = arith.constant 32 : index
      %swap3A_62 = tpu.vector_load %arg8[%swap3A_60, %swap3A_61] {strides = array<i32>} : memref<128x64xf32, #tpu.memory_space<vmem>>, vector<1x16xf32>,
      %swap3A_63 = vector.shape_cast %swap3A_62 : vector<1x16xf32> to vector<16xf32>
      %swap3A_64 = vector.shape_cast %broadcast_in_dim3A_3 : vector<16xf32> to vector<1x16xf32>
      tpu.vector_store %arg8[%swap3A_60, %swap3A_61], %swap3A_64 {strides = array<i32>} : memref<128x64xf32, #tpu.memory_space<vmem>>, vector<1x16xf32>,
      %swap3A_65 = arith.index_cast %scan3A_49 : i32 to index
      %swap3A_66 = arith.constant 48 : index
      %swap3A_67 = tpu.vector_load %arg8[%swap3A_65, %swap3A_66] {strides = array<i32>} : memref<128x64xf32, #tpu.memory_space<vmem>>, vector<1x16xf32>,
      %swap3A_68 = vector.shape_cast %swap3A_67 : vector<1x16xf32> to vector<16xf32>
      %swap3A_69 = vector.shape_cast %broadcast_in_dim3A_3 : vector<16xf32> to vector<1x16xf32>
      tpu.vector_store %arg8[%swap3A_65, %swap3A_66], %swap3A_69 {strides = array<i32>} : memref<128x64xf32, #tpu.memory_space<vmem>>, vector<1x16xf32>,
      %scan3A_70 = arith.constant 2 : i32
      %scan3A_71 = arith.addi %scan3A_28, %scan3A_70 : i32
      %swap3A_72 = arith.index_cast %scan3A_71 : i32 to index
      %swap3A_73 = arith.constant 0 : index
      %swap3A_74 = tpu.vector_load %arg8[%swap3A_72, %swap3A_73] {strides = array<i32>} : memref<128x64xf32, #tpu.memory_space<vmem>>, vector<1x16xf32>,
      %swap3A_75 = vector.shape_cast %swap3A_74 : vector<1x16xf32> to vector<16xf32>
      %swap3A_76 = vector.shape_cast %broadcast_in_dim3A_3 : vector<16xf32> to vector<1x16xf32>
      tpu.vector_store %arg8[%swap3A_72, %swap3A_73], %swap3A_76 {strides = array<i32>} : memref<128x64xf32, #tpu.memory_space<vmem>>, vector<1x16xf32>,
      %swap3A_77 = arith.index_cast %scan3A_71 : i32 to index
      %swap3A_78 = arith.constant 16 : index
      %swap3A_79 = tpu.vector_load %arg8[%swap3A_77, %swap3A_78] {strides = array<i32>} : memref<128x64xf32, #tpu.memory_space<vmem>>, vector<1x16xf32>,
      %swap3A_80 = vector.shape_cast %swap3A_79 : vector<1x16xf32> to vector<16xf32>
      %swap3A_81 = vector.shape_cast %broadcast_in_dim3A_3 : vector<16xf32> to vector<1x16xf32>
      tpu.vector_store %arg8[%swap3A_77, %swap3A_78], %swap3A_81 {strides = array<i32>} : memref<128x64xf32, #tpu.memory_space<vmem>>, vector<1x16xf32>,
      %swap3A_82 = arith.index_cast %scan3A_71 : i32 to index
      %swap3A_83 = arith.constant 32 : index
      %swap3A_84 = tpu.vector_load %arg8[%swap3A_82, %swap3A_83] {strides = array<i32>} : memref<128x64xf32, #tpu.memory_space<vmem>>, vector<1x16xf32>,
      %swap3A_85 = vector.shape_cast %swap3A_84 : vector<1x16xf32> to vector<16xf32>
      %swap3A_86 = vector.shape_cast %broadcast_in_dim3A_3 : vector<16xf32> to vector<1x16xf32>
      tpu.vector_store %arg8[%swap3A_82, %swap3A_83], %swap3A_86 {strides = array<i32>} : memref<128x64xf32, #tpu.memory_space<vmem>>, vector<1x16xf32>,
      %swap3A_87 = arith.index_cast %scan3A_71 : i32 to index
      %swap3A_88 = arith.constant 48 : index
      %swap3A_89 = tpu.vector_load %arg8[%swap3A_87, %swap3A_88] {strides = array<i32>} : memref<128x64xf32, #tpu.memory_space<vmem>>, vector<1x16xf32>,
      %swap3A_90 = vector.shape_cast %swap3A_89 : vector<1x16xf32> to vector<16xf32>
      %swap3A_91 = vector.shape_cast %broadcast_in_dim3A_3 : vector<16xf32> to vector<1x16xf32>
      tpu.vector_store %arg8[%swap3A_87, %swap3A_88], %swap3A_91 {strides = array<i32>} : memref<128x64xf32, #tpu.memory_space<vmem>>, vector<1x16xf32>,
      %scan3A_92 = arith.constant 3 : i32
      %scan3A_93 = arith.addi %scan3A_28, %scan3A_92 : i32
      %swap3A_94 = arith.index_cast %scan3A_93 : i32 to index
      %swap3A_95 = arith.constant 0 : index
      %swap3A_96 = tpu.vector_load %arg8[%swap3A_94, %swap3A_95] {strides = array<i32>} : memref<128x64xf32, #tpu.memory_space<vmem>>, vector<1x16xf32>,
      %swap3A_97 = vector.shape_cast %swap3A_96 : vector<1x16xf32> to vector<16xf32>
      %swap3A_98 = vector.shape_cast %broadcast_in_dim3A_3 : vector<16xf32> to vector<1x16xf32>
      tpu.vector_store %arg8[%swap3A_94, %swap3A_95], %swap3A_98 {strides = array<i32>} : memref<128x64xf32, #tpu.memory_space<vmem>>, vector<1x16xf32>,
      %swap3A_99 = arith.index_cast %scan3A_93 : i32 to index
      %swap3A_100 = arith.constant 16 : index
      %swap3A_101 = tpu.vector_load %arg8[%swap3A_99, %swap3A_100] {strides = array<i32>} : memref<128x64xf32, #tpu.memory_space<vmem>>, vector<1x16xf32>,
      %swap3A_102 = vector.shape_cast %swap3A_101 : vector<1x16xf32> to vector<16xf32>
      %swap3A_103 = vector.shape_cast %broadcast_in_dim3A_3 : vector<16xf32> to vector<1x16xf32>
      tpu.vector_store %arg8[%swap3A_99, %swap3A_100], %swap3A_103 {strides = array<i32>} : memref<128x64xf32, #tpu.memory_space<vmem>>, vector<1x16xf32>,
      %swap3A_104 = arith.index_cast %scan3A_93 : i32 to index
      %swap3A_105 = arith.constant 32 : index
      %swap3A_106 = tpu.vector_load %arg8[%swap3A_104, %swap3A_105] {strides = array<i32>} : memref<128x64xf32, #tpu.memory_space<vmem>>, vector<1x16xf32>,
      %swap3A_107 = vector.shape_cast %swap3A_106 : vector<1x16xf32> to vector<16xf32>
      %swap3A_108 = vector.shape_cast %broadcast_in_dim3A_3 : vector<16xf32> to vector<1x16xf32>
      tpu.vector_store %arg8[%swap3A_104, %swap3A_105], %swap3A_108 {strides = array<i32>} : memref<128x64xf32, #tpu.memory_space<vmem>>, vector<1x16xf32>,
      %swap3A_109 = arith.index_cast %scan3A_93 : i32 to index
      %swap3A_110 = arith.constant 48 : index
      %swap3A_111 = tpu.vector_load %arg8[%swap3A_109, %swap3A_110] {strides = array<i32>} : memref<128x64xf32, #tpu.memory_space<vmem>>, vector<1x16xf32>,
      %swap3A_112 = vector.shape_cast %swap3A_111 : vector<1x16xf32> to vector<16xf32>
      %swap3A_113 = vector.shape_cast %broadcast_in_dim3A_3 : vector<16xf32> to vector<1x16xf32>
      tpu.vector_store %arg8[%swap3A_109, %swap3A_110], %swap3A_113 {strides = array<i32>} : memref<128x64xf32, #tpu.memory_space<vmem>>, vector<1x16xf32>,
    }
    %scan3A_8 = arith.constant 128 : i32
    %dma_start3A = arith.constant 0 : i32
    %dma_start3A_9 = arith.constant 0 : i32
    %dma_start3A_10 = tpu.memref_slice %arg5[%dma_start3A, %dma_start3A_9] : memref<200x128xi32, #tpu.memory_space<vmem>> -> memref<1x128xi32, #tpu.memory_space<vmem>>
    %dma_start3A_11 = tpu.memref_squeeze %dma_start3A_10 : memref<1x128xi32, #tpu.memory_space<vmem>> -> memref<128xi32, #tpu.memory_space<vmem>>
    %dma_start3A_12 = arith.constant 0 : i32
    %dma_start3A_13 = arith.constant 0 : i32
    %dma_start3A_14 = tpu.memref_slice %arg3[%dma_start3A_12, %dma_start3A_13] : memref<1000000x64xf32, #tpu.memory_space<hbm>> -> memref<1000000x64xf32, #tpu.memory_space<hbm>>
    tpu.enqueue_indirect_dma source(%dma_start3A_14 : memref<1000000x64xf32, #tpu.memory_space<hbm>>) target(%arg6 : memref<128x64xf32, #tpu.memory_space<vmem>>) offsets(%dma_start3A_11 : memref<128xi32, #tpu.memory_space<vmem>>) semaphore(%arg9 : memref<!tpu.dma_semaphore, #tpu.memory_space<semaphore_mem>>)
    %dma_start3A_15 = arith.constant 1 : i32
    %dma_start3A_16 = arith.constant 0 : i32
    %dma_start3A_17 = tpu.memref_slice %arg5[%dma_start3A_15, %dma_start3A_16] : memref<200x128xi32, #tpu.memory_space<vmem>> -> memref<1x128xi32, #tpu.memory_space<vmem>>
    %dma_start3A_18 = tpu.memref_squeeze %dma_start3A_17 : memref<1x128xi32, #tpu.memory_space<vmem>> -> memref<128xi32, #tpu.memory_space<vmem>>
    %dma_start3A_19 = arith.constant 0 : i32
    %dma_start3A_20 = arith.constant 0 : i32
    %dma_start3A_21 = tpu.memref_slice %arg3[%dma_start3A_19, %dma_start3A_20] : memref<1000000x64xf32, #tpu.memory_space<hbm>> -> memref<1000000x64xf32, #tpu.memory_space<hbm>>
    tpu.enqueue_indirect_dma source(%dma_start3A_21 : memref<1000000x64xf32, #tpu.memory_space<hbm>>) target(%arg7 : memref<128x64xf32, #tpu.memory_space<vmem>>) offsets(%dma_start3A_18 : memref<128xi32, #tpu.memory_space<vmem>>) semaphore(%arg10 : memref<!tpu.dma_semaphore, #tpu.memory_space<semaphore_mem>>)
    %scan3A_22 = arith.constant 0 : i32
    %scan3A_23 = arith.constant 0 : i32
    %scan3A_24 = arith.constant 100 : i32
    %scan3A_25 = arith.addi %scan3A_23, %scan3A_24 : i32
    %scan3A_26 = arith.constant 1 : i32
    scf.for %scan3A_28 = %scan3A_23 to %scan3A_25 step %scan3A_26  : i32 {
      %mul3A_29 = arith.constant 2 : i32
      %mul3A_30 = arith.muli %mul3A_29, %scan3A_28 : i32
      %add3A_31 = arith.constant 1 : i32
      %add3A_32 = arith.addi %mul3A_30, %add3A_31 : i32
      %dma_wait3A = arith.constant 0 : i32
      %dma_wait3A_33 = tpu.memref_slice %arg5[%mul3A_30, %dma_wait3A] : memref<200x128xi32, #tpu.memory_space<vmem>> -> memref<1x128xi32, #tpu.memory_space<vmem>>
      %dma_wait3A_34 = tpu.memref_squeeze %dma_wait3A_33 : memref<1x128xi32, #tpu.memory_space<vmem>> -> memref<128xi32, #tpu.memory_space<vmem>>
      %dma_wait3A_35 = arith.constant 0 : i32
      %dma_wait3A_36 = arith.constant 0 : i32
      %dma_wait3A_37 = tpu.memref_slice %arg3[%dma_wait3A_35, %dma_wait3A_36] : memref<1000000x64xf32, #tpu.memory_space<hbm>> -> memref<1000000x64xf32, #tpu.memory_space<hbm>>
      tpu.wait_indirect_dma semaphore(%arg9 : memref<!tpu.dma_semaphore, #tpu.memory_space<semaphore_mem>>) src(%dma_wait3A_37 : memref<1000000x64xf32, #tpu.memory_space<hbm>>) dst(%arg6 : memref<128x64xf32, #tpu.memory_space<vmem>>)
      %scan3A_38 = arith.constant 0 : i32
      %scan3A_39 = arith.constant 0 : i32
      %scan3A_40 = arith.constant 128 : i32
      %scan3A_41 = arith.addi %scan3A_39, %scan3A_40 : i32
      %scan3A_42 = arith.constant 4 : i32
      scf.for %scan3A_67 = %scan3A_39 to %scan3A_41 step %scan3A_42  : i32 {
        %get3A = arith.index_cast %scan3A_67 : i32 to index
        %get3A_68 = arith.constant 0 : index
        %get3A_69 = tpu.vector_load %arg6[%get3A, %get3A_68] {strides = array<i32>} : memref<128x64xf32, #tpu.memory_space<vmem>>, vector<1x16xf32>,
        %get3A_70 = vector.shape_cast %get3A_69 : vector<1x16xf32> to vector<16xf32>
        %swap3A = arith.index_cast %scan3A_67 : i32 to index
        %swap3A_71 = arith.constant 0 : index
        %swap3A_72 = tpu.vector_load %arg8[%swap3A, %swap3A_71] {strides = array<i32>} : memref<128x64xf32, #tpu.memory_space<vmem>>, vector<1x16xf32>,
        %swap3A_73 = vector.shape_cast %swap3A_72 : vector<1x16xf32> to vector<16xf32>
        %swap3A_74 = vector.shape_cast %get3A_70 : vector<16xf32> to vector<1x16xf32>
        tpu.vector_store %arg8[%swap3A, %swap3A_71], %swap3A_74 {add = true, strides = array<i32>} : memref<128x64xf32, #tpu.memory_space<vmem>>, vector<1x16xf32>,
        %get3A_75 = arith.index_cast %scan3A_67 : i32 to index
        %get3A_76 = arith.constant 16 : index
        %get3A_77 = tpu.vector_load %arg6[%get3A_75, %get3A_76] {strides = array<i32>} : memref<128x64xf32, #tpu.memory_space<vmem>>, vector<1x16xf32>,
        %get3A_78 = vector.shape_cast %get3A_77 : vector<1x16xf32> to vector<16xf32>
        %swap3A_79 = arith.index_cast %scan3A_67 : i32 to index
        %swap3A_80 = arith.constant 16 : index
        %swap3A_81 = tpu.vector_load %arg8[%swap3A_79, %swap3A_80] {strides = array<i32>} : memref<128x64xf32, #tpu.memory_space<vmem>>, vector<1x16xf32>,
        %swap3A_82 = vector.shape_cast %swap3A_81 : vector<1x16xf32> to vector<16xf32>
        %swap3A_83 = vector.shape_cast %get3A_78 : vector<16xf32> to vector<1x16xf32>
        tpu.vector_store %arg8[%swap3A_79, %swap3A_80], %swap3A_83 {add = true, strides = array<i32>} : memref<128x64xf32, #tpu.memory_space<vmem>>, vector<1x16xf32>,
        %get3A_84 = arith.index_cast %scan3A_67 : i32 to index
        %get3A_85 = arith.constant 32 : index
        %get3A_86 = tpu.vector_load %arg6[%get3A_84, %get3A_85] {strides = array<i32>} : memref<128x64xf32, #tpu.memory_space<vmem>>, vector<1x16xf32>,
        %get3A_87 = vector.shape_cast %get3A_86 : vector<1x16xf32> to vector<16xf32>
        %swap3A_88 = arith.index_cast %scan3A_67 : i32 to index
        %swap3A_89 = arith.constant 32 : index
        %swap3A_90 = tpu.vector_load %arg8[%swap3A_88, %swap3A_89] {strides = array<i32>} : memref<128x64xf32, #tpu.memory_space<vmem>>, vector<1x16xf32>,
        %swap3A_91 = vector.shape_cast %swap3A_90 : vector<1x16xf32> to vector<16xf32>
        %swap3A_92 = vector.shape_cast %get3A_87 : vector<16xf32> to vector<1x16xf32>
        tpu.vector_store %arg8[%swap3A_88, %swap3A_89], %swap3A_92 {add = true, strides = array<i32>} : memref<128x64xf32, #tpu.memory_space<vmem>>, vector<1x16xf32>,
        %get3A_93 = arith.index_cast %scan3A_67 : i32 to index
        %get3A_94 = arith.constant 48 : index
        %get3A_95 = tpu.vector_load %arg6[%get3A_93, %get3A_94] {strides = array<i32>} : memref<128x64xf32, #tpu.memory_space<vmem>>, vector<1x16xf32>,
        %get3A_96 = vector.shape_cast %get3A_95 : vector<1x16xf32> to vector<16xf32>
        %swap3A_97 = arith.index_cast %scan3A_67 : i32 to index
        %swap3A_98 = arith.constant 48 : index
        %swap3A_99 = tpu.vector_load %arg8[%swap3A_97, %swap3A_98] {strides = array<i32>} : memref<128x64xf32, #tpu.memory_space<vmem>>, vector<1x16xf32>,
        %swap3A_100 = vector.shape_cast %swap3A_99 : vector<1x16xf32> to vector<16xf32>
        %swap3A_101 = vector.shape_cast %get3A_96 : vector<16xf32> to vector<1x16xf32>
        tpu.vector_store %arg8[%swap3A_97, %swap3A_98], %swap3A_101 {add = true, strides = array<i32>} : memref<128x64xf32, #tpu.memory_space<vmem>>, vector<1x16xf32>,
        %scan3A_102 = arith.constant 1 : i32
        %scan3A_103 = arith.addi %scan3A_67, %scan3A_102 : i32
        %get3A_104 = arith.index_cast %scan3A_103 : i32 to index
        %get3A_105 = arith.constant 0 : index
        %get3A_106 = tpu.vector_load %arg6[%get3A_104, %get3A_105] {strides = array<i32>} : memref<128x64xf32, #tpu.memory_space<vmem>>, vector<1x16xf32>,
        %get3A_107 = vector.shape_cast %get3A_106 : vector<1x16xf32> to vector<16xf32>
        %swap3A_108 = arith.index_cast %scan3A_103 : i32 to index
        %swap3A_109 = arith.constant 0 : index
        %swap3A_110 = tpu.vector_load %arg8[%swap3A_108, %swap3A_109] {strides = array<i32>} : memref<128x64xf32, #tpu.memory_space<vmem>>, vector<1x16xf32>,
        %swap3A_111 = vector.shape_cast %swap3A_110 : vector<1x16xf32> to vector<16xf32>
        %swap3A_112 = vector.shape_cast %get3A_107 : vector<16xf32> to vector<1x16xf32>
        tpu.vector_store %arg8[%swap3A_108, %swap3A_109], %swap3A_112 {add = true, strides = array<i32>} : memref<128x64xf32, #tpu.memory_space<vmem>>, vector<1x16xf32>,
        %get3A_113 = arith.index_cast %scan3A_103 : i32 to index
        %get3A_114 = arith.constant 16 : index
        %get3A_115 = tpu.vector_load %arg6[%get3A_113, %get3A_114] {strides = array<i32>} : memref<128x64xf32, #tpu.memory_space<vmem>>, vector<1x16xf32>,
        %get3A_116 = vector.shape_cast %get3A_115 : vector<1x16xf32> to vector<16xf32>
        %swap3A_117 = arith.index_cast %scan3A_103 : i32 to index
        %swap3A_118 = arith.constant 16 : index
        %swap3A_119 = tpu.vector_load %arg8[%swap3A_117, %swap3A_118] {strides = array<i32>} : memref<128x64xf32, #tpu.memory_space<vmem>>, vector<1x16xf32>,
        %swap3A_120 = vector.shape_cast %swap3A_119 : vector<1x16xf32> to vector<16xf32>
        %swap3A_121 = vector.shape_cast %get3A_116 : vector<16xf32> to vector<1x16xf32>
        tpu.vector_store %arg8[%swap3A_117, %swap3A_118], %swap3A_121 {add = true, strides = array<i32>} : memref<128x64xf32, #tpu.memory_space<vmem>>, vector<1x16xf32>,
        %get3A_122 = arith.index_cast %scan3A_103 : i32 to index
        %get3A_123 = arith.constant 32 : index
        %get3A_124 = tpu.vector_load %arg6[%get3A_122, %get3A_123] {strides = array<i32>} : memref<128x64xf32, #tpu.memory_space<vmem>>, vector<1x16xf32>,
        %get3A_125 = vector.shape_cast %get3A_124 : vector<1x16xf32> to vector<16xf32>
        %swap3A_126 = arith.index_cast %scan3A_103 : i32 to index
        %swap3A_127 = arith.constant 32 : index
        %swap3A_128 = tpu.vector_load %arg8[%swap3A_126, %swap3A_127] {strides = array<i32>} : memref<128x64xf32, #tpu.memory_space<vmem>>, vector<1x16xf32>,
        %swap3A_129 = vector.shape_cast %swap3A_128 : vector<1x16xf32> to vector<16xf32>
        %swap3A_130 = vector.shape_cast %get3A_125 : vector<16xf32> to vector<1x16xf32>
        tpu.vector_store %arg8[%swap3A_126, %swap3A_127], %swap3A_130 {add = true, strides = array<i32>} : memref<128x64xf32, #tpu.memory_space<vmem>>, vector<1x16xf32>,
        %get3A_131 = arith.index_cast %scan3A_103 : i32 to index
        %get3A_132 = arith.constant 48 : index
        %get3A_133 = tpu.vector_load %arg6[%get3A_131, %get3A_132] {strides = array<i32>} : memref<128x64xf32, #tpu.memory_space<vmem>>, vector<1x16xf32>,
        %get3A_134 = vector.shape_cast %get3A_133 : vector<1x16xf32> to vector<16xf32>
        %swap3A_135 = arith.index_cast %scan3A_103 : i32 to index
        %swap3A_136 = arith.constant 48 : index
        %swap3A_137 = tpu.vector_load %arg8[%swap3A_135, %swap3A_136] {strides = array<i32>} : memref<128x64xf32, #tpu.memory_space<vmem>>, vector<1x16xf32>,
        %swap3A_138 = vector.shape_cast %swap3A_137 : vector<1x16xf32> to vector<16xf32>
        %swap3A_139 = vector.shape_cast %get3A_134 : vector<16xf32> to vector<1x16xf32>
        tpu.vector_store %arg8[%swap3A_135, %swap3A_136], %swap3A_139 {add = true, strides = array<i32>} : memref<128x64xf32, #tpu.memory_space<vmem>>, vector<1x16xf32>,
        %scan3A_140 = arith.constant 2 : i32
        %scan3A_141 = arith.addi %scan3A_67, %scan3A_140 : i32
        %get3A_142 = arith.index_cast %scan3A_141 : i32 to index
        %get3A_143 = arith.constant 0 : index
        %get3A_144 = tpu.vector_load %arg6[%get3A_142, %get3A_143] {strides = array<i32>} : memref<128x64xf32, #tpu.memory_space<vmem>>, vector<1x16xf32>,
        %get3A_145 = vector.shape_cast %get3A_144 : vector<1x16xf32> to vector<16xf32>
        %swap3A_146 = arith.index_cast %scan3A_141 : i32 to index
        %swap3A_147 = arith.constant 0 : index
        %swap3A_148 = tpu.vector_load %arg8[%swap3A_146, %swap3A_147] {strides = array<i32>} : memref<128x64xf32, #tpu.memory_space<vmem>>, vector<1x16xf32>,
        %swap3A_149 = vector.shape_cast %swap3A_148 : vector<1x16xf32> to vector<16xf32>
        %swap3A_150 = vector.shape_cast %get3A_145 : vector<16xf32> to vector<1x16xf32>
        tpu.vector_store %arg8[%swap3A_146, %swap3A_147], %swap3A_150 {add = true, strides = array<i32>} : memref<128x64xf32, #tpu.memory_space<vmem>>, vector<1x16xf32>,
        %get3A_151 = arith.index_cast %scan3A_141 : i32 to index
        %get3A_152 = arith.constant 16 : index
        %get3A_153 = tpu.vector_load %arg6[%get3A_151, %get3A_152] {strides = array<i32>} : memref<128x64xf32, #tpu.memory_space<vmem>>, vector<1x16xf32>,
        %get3A_154 = vector.shape_cast %get3A_153 : vector<1x16xf32> to vector<16xf32>
        %swap3A_155 = arith.index_cast %scan3A_141 : i32 to index
        %swap3A_156 = arith.constant 16 : index
        %swap3A_157 = tpu.vector_load %arg8[%swap3A_155, %swap3A_156] {strides = array<i32>} : memref<128x64xf32, #tpu.memory_space<vmem>>, vector<1x16xf32>,
        %swap3A_158 = vector.shape_cast %swap3A_157 : vector<1x16xf32> to vector<16xf32>
        %swap3A_159 = vector.shape_cast %get3A_154 : vector<16xf32> to vector<1x16xf32>
        tpu.vector_store %arg8[%swap3A_155, %swap3A_156], %swap3A_159 {add = true, strides = array<i32>} : memref<128x64xf32, #tpu.memory_space<vmem>>, vector<1x16xf32>,
        %get3A_160 = arith.index_cast %scan3A_141 : i32 to index
        %get3A_161 = arith.constant 32 : index
        %get3A_162 = tpu.vector_load %arg6[%get3A_160, %get3A_161] {strides = array<i32>} : memref<128x64xf32, #tpu.memory_space<vmem>>, vector<1x16xf32>,
        %get3A_163 = vector.shape_cast %get3A_162 : vector<1x16xf32> to vector<16xf32>
        %swap3A_164 = arith.index_cast %scan3A_141 : i32 to index
        %swap3A_165 = arith.constant 32 : index
        %swap3A_166 = tpu.vector_load %arg8[%swap3A_164, %swap3A_165] {strides = array<i32>} : memref<128x64xf32, #tpu.memory_space<vmem>>, vector<1x16xf32>,
        %swap3A_167 = vector.shape_cast %swap3A_166 : vector<1x16xf32> to vector<16xf32>
        %swap3A_168 = vector.shape_cast %get3A_163 : vector<16xf32> to vector<1x16xf32>
        tpu.vector_store %arg8[%swap3A_164, %swap3A_165], %swap3A_168 {add = true, strides = array<i32>} : memref<128x64xf32, #tpu.memory_space<vmem>>, vector<1x16xf32>,
        %get3A_169 = arith.index_cast %scan3A_141 : i32 to index
        %get3A_170 = arith.constant 48 : index
        %get3A_171 = tpu.vector_load %arg6[%get3A_169, %get3A_170] {strides = array<i32>} : memref<128x64xf32, #tpu.memory_space<vmem>>, vector<1x16xf32>,
        %get3A_172 = vector.shape_cast %get3A_171 : vector<1x16xf32> to vector<16xf32>
        %swap3A_173 = arith.index_cast %scan3A_141 : i32 to index
        %swap3A_174 = arith.constant 48 : index
        %swap3A_175 = tpu.vector_load %arg8[%swap3A_173, %swap3A_174] {strides = array<i32>} : memref<128x64xf32, #tpu.memory_space<vmem>>, vector<1x16xf32>,
        %swap3A_176 = vector.shape_cast %swap3A_175 : vector<1x16xf32> to vector<16xf32>
        %swap3A_177 = vector.shape_cast %get3A_172 : vector<16xf32> to vector<1x16xf32>
        tpu.vector_store %arg8[%swap3A_173, %swap3A_174], %swap3A_177 {add = true, strides = array<i32>} : memref<128x64xf32, #tpu.memory_space<vmem>>, vector<1x16xf32>,
        %scan3A_178 = arith.constant 3 : i32
        %scan3A_179 = arith.addi %scan3A_67, %scan3A_178 : i32
        %get3A_180 = arith.index_cast %scan3A_179 : i32 to index
        %get3A_181 = arith.constant 0 : index
        %get3A_182 = tpu.vector_load %arg6[%get3A_180, %get3A_181] {strides = array<i32>} : memref<128x64xf32, #tpu.memory_space<vmem>>, vector<1x16xf32>,
        %get3A_183 = vector.shape_cast %get3A_182 : vector<1x16xf32> to vector<16xf32>
        %swap3A_184 = arith.index_cast %scan3A_179 : i32 to index
        %swap3A_185 = arith.constant 0 : index
        %swap3A_186 = tpu.vector_load %arg8[%swap3A_184, %swap3A_185] {strides = array<i32>} : memref<128x64xf32, #tpu.memory_space<vmem>>, vector<1x16xf32>,
        %swap3A_187 = vector.shape_cast %swap3A_186 : vector<1x16xf32> to vector<16xf32>
        %swap3A_188 = vector.shape_cast %get3A_183 : vector<16xf32> to vector<1x16xf32>
        tpu.vector_store %arg8[%swap3A_184, %swap3A_185], %swap3A_188 {add = true, strides = array<i32>} : memref<128x64xf32, #tpu.memory_space<vmem>>, vector<1x16xf32>,
        %get3A_189 = arith.index_cast %scan3A_179 : i32 to index
        %get3A_190 = arith.constant 16 : index
        %get3A_191 = tpu.vector_load %arg6[%get3A_189, %get3A_190] {strides = array<i32>} : memref<128x64xf32, #tpu.memory_space<vmem>>, vector<1x16xf32>,
        %get3A_192 = vector.shape_cast %get3A_191 : vector<1x16xf32> to vector<16xf32>
        %swap3A_193 = arith.index_cast %scan3A_179 : i32 to index
        %swap3A_194 = arith.constant 16 : index
        %swap3A_195 = tpu.vector_load %arg8[%swap3A_193, %swap3A_194] {strides = array<i32>} : memref<128x64xf32, #tpu.memory_space<vmem>>, vector<1x16xf32>,
        %swap3A_196 = vector.shape_cast %swap3A_195 : vector<1x16xf32> to vector<16xf32>
        %swap3A_197 = vector.shape_cast %get3A_192 : vector<16xf32> to vector<1x16xf32>
        tpu.vector_store %arg8[%swap3A_193, %swap3A_194], %swap3A_197 {add = true, strides = array<i32>} : memref<128x64xf32, #tpu.memory_space<vmem>>, vector<1x16xf32>,
        %get3A_198 = arith.index_cast %scan3A_179 : i32 to index
        %get3A_199 = arith.constant 32 : index
        %get3A_200 = tpu.vector_load %arg6[%get3A_198, %get3A_199] {strides = array<i32>} : memref<128x64xf32, #tpu.memory_space<vmem>>, vector<1x16xf32>,
        %get3A_201 = vector.shape_cast %get3A_200 : vector<1x16xf32> to vector<16xf32>
        %swap3A_202 = arith.index_cast %scan3A_179 : i32 to index
        %swap3A_203 = arith.constant 32 : index
        %swap3A_204 = tpu.vector_load %arg8[%swap3A_202, %swap3A_203] {strides = array<i32>} : memref<128x64xf32, #tpu.memory_space<vmem>>, vector<1x16xf32>,
        %swap3A_205 = vector.shape_cast %swap3A_204 : vector<1x16xf32> to vector<16xf32>
        %swap3A_206 = vector.shape_cast %get3A_201 : vector<16xf32> to vector<1x16xf32>
        tpu.vector_store %arg8[%swap3A_202, %swap3A_203], %swap3A_206 {add = true, strides = array<i32>} : memref<128x64xf32, #tpu.memory_space<vmem>>, vector<1x16xf32>,
        %get3A_207 = arith.index_cast %scan3A_179 : i32 to index
        %get3A_208 = arith.constant 48 : index
        %get3A_209 = tpu.vector_load %arg6[%get3A_207, %get3A_208] {strides = array<i32>} : memref<128x64xf32, #tpu.memory_space<vmem>>, vector<1x16xf32>,
        %get3A_210 = vector.shape_cast %get3A_209 : vector<1x16xf32> to vector<16xf32>
        %swap3A_211 = arith.index_cast %scan3A_179 : i32 to index
        %swap3A_212 = arith.constant 48 : index
        %swap3A_213 = tpu.vector_load %arg8[%swap3A_211, %swap3A_212] {strides = array<i32>} : memref<128x64xf32, #tpu.memory_space<vmem>>, vector<1x16xf32>,
        %swap3A_214 = vector.shape_cast %swap3A_213 : vector<1x16xf32> to vector<16xf32>
        %swap3A_215 = vector.shape_cast %get3A_210 : vector<16xf32> to vector<1x16xf32>
        tpu.vector_store %arg8[%swap3A_211, %swap3A_212], %swap3A_215 {add = true, strides = array<i32>} : memref<128x64xf32, #tpu.memory_space<vmem>>, vector<1x16xf32>,
      }
      %scan3A_43 = arith.constant 128 : i32
      %add3A_44 = arith.constant 2 : i32
      %add3A_45 = arith.addi %mul3A_30, %add3A_44 : i32
      %lt3A = arith.constant 200 : i32
      %lt3A_46 = arith.cmpi slt, %add3A_45, %lt3A : i32
      %convert_element_type3A = arith.extui %lt3A_46 : i1 to i32
      %cond3A = arith.constant 0 : i32
      %cond3A_47 = arith.cmpi ne, %convert_element_type3A, %cond3A : i32
      scf.if %cond3A_47 {
        %add3A_67 = arith.constant 2 : i32
        %add3A_68 = arith.addi %mul3A_30, %add3A_67 : i32
        %dma_start3A_69 = arith.constant 0 : i32
        %dma_start3A_70 = tpu.memref_slice %arg5[%add3A_68, %dma_start3A_69] : memref<200x128xi32, #tpu.memory_space<vmem>> -> memref<1x128xi32, #tpu.memory_space<vmem>>
        %dma_start3A_71 = tpu.memref_squeeze %dma_start3A_70 : memref<1x128xi32, #tpu.memory_space<vmem>> -> memref<128xi32, #tpu.memory_space<vmem>>
        %dma_start3A_72 = arith.constant 0 : i32
        %dma_start3A_73 = arith.constant 0 : i32
        %dma_start3A_74 = tpu.memref_slice %arg3[%dma_start3A_72, %dma_start3A_73] : memref<1000000x64xf32, #tpu.memory_space<hbm>> -> memref<1000000x64xf32, #tpu.memory_space<hbm>>
        tpu.enqueue_indirect_dma source(%dma_start3A_74 : memref<1000000x64xf32, #tpu.memory_space<hbm>>) target(%arg6 : memref<128x64xf32, #tpu.memory_space<vmem>>) offsets(%dma_start3A_71 : memref<128xi32, #tpu.memory_space<vmem>>) semaphore(%arg9 : memref<!tpu.dma_semaphore, #tpu.memory_space<semaphore_mem>>)
      } else {
      }
      %dma_wait3A_48 = arith.constant 0 : i32
      %dma_wait3A_49 = tpu.memref_slice %arg5[%add3A_32, %dma_wait3A_48] : memref<200x128xi32, #tpu.memory_space<vmem>> -> memref<1x128xi32, #tpu.memory_space<vmem>>
      %dma_wait3A_50 = tpu.memref_squeeze %dma_wait3A_49 : memref<1x128xi32, #tpu.memory_space<vmem>> -> memref<128xi32, #tpu.memory_space<vmem>>
      %dma_wait3A_51 = arith.constant 0 : i32
      %dma_wait3A_52 = arith.constant 0 : i32
      %dma_wait3A_53 = tpu.memref_slice %arg3[%dma_wait3A_51, %dma_wait3A_52] : memref<1000000x64xf32, #tpu.memory_space<hbm>> -> memref<1000000x64xf32, #tpu.memory_space<hbm>>
      tpu.wait_indirect_dma semaphore(%arg10 : memref<!tpu.dma_semaphore, #tpu.memory_space<semaphore_mem>>) src(%dma_wait3A_53 : memref<1000000x64xf32, #tpu.memory_space<hbm>>) dst(%arg7 : memref<128x64xf32, #tpu.memory_space<vmem>>)
      %scan3A_54 = arith.constant 0 : i32
      %scan3A_55 = arith.constant 0 : i32
      %scan3A_56 = arith.constant 128 : i32
      %scan3A_57 = arith.addi %scan3A_55, %scan3A_56 : i32
      %scan3A_58 = arith.constant 4 : i32
      scf.for %scan3A_67 = %scan3A_55 to %scan3A_57 step %scan3A_58  : i32 {
        %get3A = arith.index_cast %scan3A_67 : i32 to index
        %get3A_68 = arith.constant 0 : index
        %get3A_69 = tpu.vector_load %arg7[%get3A, %get3A_68] {strides = array<i32>} : memref<128x64xf32, #tpu.memory_space<vmem>>, vector<1x16xf32>,
        %get3A_70 = vector.shape_cast %get3A_69 : vector<1x16xf32> to vector<16xf32>
        %swap3A = arith.index_cast %scan3A_67 : i32 to index
        %swap3A_71 = arith.constant 0 : index
        %swap3A_72 = tpu.vector_load %arg8[%swap3A, %swap3A_71] {strides = array<i32>} : memref<128x64xf32, #tpu.memory_space<vmem>>, vector<1x16xf32>,
        %swap3A_73 = vector.shape_cast %swap3A_72 : vector<1x16xf32> to vector<16xf32>
        %swap3A_74 = vector.shape_cast %get3A_70 : vector<16xf32> to vector<1x16xf32>
        tpu.vector_store %arg8[%swap3A, %swap3A_71], %swap3A_74 {add = true, strides = array<i32>} : memref<128x64xf32, #tpu.memory_space<vmem>>, vector<1x16xf32>,
        %get3A_75 = arith.index_cast %scan3A_67 : i32 to index
        %get3A_76 = arith.constant 16 : index
        %get3A_77 = tpu.vector_load %arg7[%get3A_75, %get3A_76] {strides = array<i32>} : memref<128x64xf32, #tpu.memory_space<vmem>>, vector<1x16xf32>,
        %get3A_78 = vector.shape_cast %get3A_77 : vector<1x16xf32> to vector<16xf32>
        %swap3A_79 = arith.index_cast %scan3A_67 : i32 to index
        %swap3A_80 = arith.constant 16 : index
        %swap3A_81 = tpu.vector_load %arg8[%swap3A_79, %swap3A_80] {strides = array<i32>} : memref<128x64xf32, #tpu.memory_space<vmem>>, vector<1x16xf32>,
        %swap3A_82 = vector.shape_cast %swap3A_81 : vector<1x16xf32> to vector<16xf32>
        %swap3A_83 = vector.shape_cast %get3A_78 : vector<16xf32> to vector<1x16xf32>
        tpu.vector_store %arg8[%swap3A_79, %swap3A_80], %swap3A_83 {add = true, strides = array<i32>} : memref<128x64xf32, #tpu.memory_space<vmem>>, vector<1x16xf32>,
        %get3A_84 = arith.index_cast %scan3A_67 : i32 to index
        %get3A_85 = arith.constant 32 : index
        %get3A_86 = tpu.vector_load %arg7[%get3A_84, %get3A_85] {strides = array<i32>} : memref<128x64xf32, #tpu.memory_space<vmem>>, vector<1x16xf32>,
        %get3A_87 = vector.shape_cast %get3A_86 : vector<1x16xf32> to vector<16xf32>
        %swap3A_88 = arith.index_cast %scan3A_67 : i32 to index
        %swap3A_89 = arith.constant 32 : index
        %swap3A_90 = tpu.vector_load %arg8[%swap3A_88, %swap3A_89] {strides = array<i32>} : memref<128x64xf32, #tpu.memory_space<vmem>>, vector<1x16xf32>,
        %swap3A_91 = vector.shape_cast %swap3A_90 : vector<1x16xf32> to vector<16xf32>
        %swap3A_92 = vector.shape_cast %get3A_87 : vector<16xf32> to vector<1x16xf32>
        tpu.vector_store %arg8[%swap3A_88, %swap3A_89], %swap3A_92 {add = true, strides = array<i32>} : memref<128x64xf32, #tpu.memory_space<vmem>>, vector<1x16xf32>,
        %get3A_93 = arith.index_cast %scan3A_67 : i32 to index
        %get3A_94 = arith.constant 48 : index
        %get3A_95 = tpu.vector_load %arg7[%get3A_93, %get3A_94] {strides = array<i32>} : memref<128x64xf32, #tpu.memory_space<vmem>>, vector<1x16xf32>,
        %get3A_96 = vector.shape_cast %get3A_95 : vector<1x16xf32> to vector<16xf32>
        %swap3A_97 = arith.index_cast %scan3A_67 : i32 to index
        %swap3A_98 = arith.constant 48 : index
        %swap3A_99 = tpu.vector_load %arg8[%swap3A_97, %swap3A_98] {strides = array<i32>} : memref<128x64xf32, #tpu.memory_space<vmem>>, vector<1x16xf32>,
        %swap3A_100 = vector.shape_cast %swap3A_99 : vector<1x16xf32> to vector<16xf32>
        %swap3A_101 = vector.shape_cast %get3A_96 : vector<16xf32> to vector<1x16xf32>
        tpu.vector_store %arg8[%swap3A_97, %swap3A_98], %swap3A_101 {add = true, strides = array<i32>} : memref<128x64xf32, #tpu.memory_space<vmem>>, vector<1x16xf32>,
        %scan3A_102 = arith.constant 1 : i32
        %scan3A_103 = arith.addi %scan3A_67, %scan3A_102 : i32
        %get3A_104 = arith.index_cast %scan3A_103 : i32 to index
        %get3A_105 = arith.constant 0 : index
        %get3A_106 = tpu.vector_load %arg7[%get3A_104, %get3A_105] {strides = array<i32>} : memref<128x64xf32, #tpu.memory_space<vmem>>, vector<1x16xf32>,
        %get3A_107 = vector.shape_cast %get3A_106 : vector<1x16xf32> to vector<16xf32>
        %swap3A_108 = arith.index_cast %scan3A_103 : i32 to index
        %swap3A_109 = arith.constant 0 : index
        %swap3A_110 = tpu.vector_load %arg8[%swap3A_108, %swap3A_109] {strides = array<i32>} : memref<128x64xf32, #tpu.memory_space<vmem>>, vector<1x16xf32>,
        %swap3A_111 = vector.shape_cast %swap3A_110 : vector<1x16xf32> to vector<16xf32>
        %swap3A_112 = vector.shape_cast %get3A_107 : vector<16xf32> to vector<1x16xf32>
        tpu.vector_store %arg8[%swap3A_108, %swap3A_109], %swap3A_112 {add = true, strides = array<i32>} : memref<128x64xf32, #tpu.memory_space<vmem>>, vector<1x16xf32>,
        %get3A_113 = arith.index_cast %scan3A_103 : i32 to index
        %get3A_114 = arith.constant 16 : index
        %get3A_115 = tpu.vector_load %arg7[%get3A_113, %get3A_114] {strides = array<i32>} : memref<128x64xf32, #tpu.memory_space<vmem>>, vector<1x16xf32>,
        %get3A_116 = vector.shape_cast %get3A_115 : vector<1x16xf32> to vector<16xf32>
        %swap3A_117 = arith.index_cast %scan3A_103 : i32 to index
        %swap3A_118 = arith.constant 16 : index
        %swap3A_119 = tpu.vector_load %arg8[%swap3A_117, %swap3A_118] {strides = array<i32>} : memref<128x64xf32, #tpu.memory_space<vmem>>, vector<1x16xf32>,
        %swap3A_120 = vector.shape_cast %swap3A_119 : vector<1x16xf32> to vector<16xf32>
        %swap3A_121 = vector.shape_cast %get3A_116 : vector<16xf32> to vector<1x16xf32>
        tpu.vector_store %arg8[%swap3A_117, %swap3A_118], %swap3A_121 {add = true, strides = array<i32>} : memref<128x64xf32, #tpu.memory_space<vmem>>, vector<1x16xf32>,
        %get3A_122 = arith.index_cast %scan3A_103 : i32 to index
        %get3A_123 = arith.constant 32 : index
        %get3A_124 = tpu.vector_load %arg7[%get3A_122, %get3A_123] {strides = array<i32>} : memref<128x64xf32, #tpu.memory_space<vmem>>, vector<1x16xf32>,
        %get3A_125 = vector.shape_cast %get3A_124 : vector<1x16xf32> to vector<16xf32>
        %swap3A_126 = arith.index_cast %scan3A_103 : i32 to index
        %swap3A_127 = arith.constant 32 : index
        %swap3A_128 = tpu.vector_load %arg8[%swap3A_126, %swap3A_127] {strides = array<i32>} : memref<128x64xf32, #tpu.memory_space<vmem>>, vector<1x16xf32>,
        %swap3A_129 = vector.shape_cast %swap3A_128 : vector<1x16xf32> to vector<16xf32>
        %swap3A_130 = vector.shape_cast %get3A_125 : vector<16xf32> to vector<1x16xf32>
        tpu.vector_store %arg8[%swap3A_126, %swap3A_127], %swap3A_130 {add = true, strides = array<i32>} : memref<128x64xf32, #tpu.memory_space<vmem>>, vector<1x16xf32>,
        %get3A_131 = arith.index_cast %scan3A_103 : i32 to index
        %get3A_132 = arith.constant 48 : index
        %get3A_133 = tpu.vector_load %arg7[%get3A_131, %get3A_132] {strides = array<i32>} : memref<128x64xf32, #tpu.memory_space<vmem>>, vector<1x16xf32>,
        %get3A_134 = vector.shape_cast %get3A_133 : vector<1x16xf32> to vector<16xf32>
        %swap3A_135 = arith.index_cast %scan3A_103 : i32 to index
        %swap3A_136 = arith.constant 48 : index
        %swap3A_137 = tpu.vector_load %arg8[%swap3A_135, %swap3A_136] {strides = array<i32>} : memref<128x64xf32, #tpu.memory_space<vmem>>, vector<1x16xf32>,
        %swap3A_138 = vector.shape_cast %swap3A_137 : vector<1x16xf32> to vector<16xf32>
        %swap3A_139 = vector.shape_cast %get3A_134 : vector<16xf32> to vector<1x16xf32>
        tpu.vector_store %arg8[%swap3A_135, %swap3A_136], %swap3A_139 {add = true, strides = array<i32>} : memref<128x64xf32, #tpu.memory_space<vmem>>, vector<1x16xf32>,
        %scan3A_140 = arith.constant 2 : i32
        %scan3A_141 = arith.addi %scan3A_67, %scan3A_140 : i32
        %get3A_142 = arith.index_cast %scan3A_141 : i32 to index
        %get3A_143 = arith.constant 0 : index
        %get3A_144 = tpu.vector_load %arg7[%get3A_142, %get3A_143] {strides = array<i32>} : memref<128x64xf32, #tpu.memory_space<vmem>>, vector<1x16xf32>,
        %get3A_145 = vector.shape_cast %get3A_144 : vector<1x16xf32> to vector<16xf32>
        %swap3A_146 = arith.index_cast %scan3A_141 : i32 to index
        %swap3A_147 = arith.constant 0 : index
        %swap3A_148 = tpu.vector_load %arg8[%swap3A_146, %swap3A_147] {strides = array<i32>} : memref<128x64xf32, #tpu.memory_space<vmem>>, vector<1x16xf32>,
        %swap3A_149 = vector.shape_cast %swap3A_148 : vector<1x16xf32> to vector<16xf32>
        %swap3A_150 = vector.shape_cast %get3A_145 : vector<16xf32> to vector<1x16xf32>
        tpu.vector_store %arg8[%swap3A_146, %swap3A_147], %swap3A_150 {add = true, strides = array<i32>} : memref<128x64xf32, #tpu.memory_space<vmem>>, vector<1x16xf32>,
        %get3A_151 = arith.index_cast %scan3A_141 : i32 to index
        %get3A_152 = arith.constant 16 : index
        %get3A_153 = tpu.vector_load %arg7[%get3A_151, %get3A_152] {strides = array<i32>} : memref<128x64xf32, #tpu.memory_space<vmem>>, vector<1x16xf32>,
        %get3A_154 = vector.shape_cast %get3A_153 : vector<1x16xf32> to vector<16xf32>
        %swap3A_155 = arith.index_cast %scan3A_141 : i32 to index
        %swap3A_156 = arith.constant 16 : index
        %swap3A_157 = tpu.vector_load %arg8[%swap3A_155, %swap3A_156] {strides = array<i32>} : memref<128x64xf32, #tpu.memory_space<vmem>>, vector<1x16xf32>,
        %swap3A_158 = vector.shape_cast %swap3A_157 : vector<1x16xf32> to vector<16xf32>
        %swap3A_159 = vector.shape_cast %get3A_154 : vector<16xf32> to vector<1x16xf32>
        tpu.vector_store %arg8[%swap3A_155, %swap3A_156], %swap3A_159 {add = true, strides = array<i32>} : memref<128x64xf32, #tpu.memory_space<vmem>>, vector<1x16xf32>,
        %get3A_160 = arith.index_cast %scan3A_141 : i32 to index
        %get3A_161 = arith.constant 32 : index
        %get3A_162 = tpu.vector_load %arg7[%get3A_160, %get3A_161] {strides = array<i32>} : memref<128x64xf32, #tpu.memory_space<vmem>>, vector<1x16xf32>,
        %get3A_163 = vector.shape_cast %get3A_162 : vector<1x16xf32> to vector<16xf32>
        %swap3A_164 = arith.index_cast %scan3A_141 : i32 to index
        %swap3A_165 = arith.constant 32 : index
        %swap3A_166 = tpu.vector_load %arg8[%swap3A_164, %swap3A_165] {strides = array<i32>} : memref<128x64xf32, #tpu.memory_space<vmem>>, vector<1x16xf32>,
        %swap3A_167 = vector.shape_cast %swap3A_166 : vector<1x16xf32> to vector<16xf32>
        %swap3A_168 = vector.shape_cast %get3A_163 : vector<16xf32> to vector<1x16xf32>
        tpu.vector_store %arg8[%swap3A_164, %swap3A_165], %swap3A_168 {add = true, strides = array<i32>} : memref<128x64xf32, #tpu.memory_space<vmem>>, vector<1x16xf32>,
        %get3A_169 = arith.index_cast %scan3A_141 : i32 to index
        %get3A_170 = arith.constant 48 : index
        %get3A_171 = tpu.vector_load %arg7[%get3A_169, %get3A_170] {strides = array<i32>} : memref<128x64xf32, #tpu.memory_space<vmem>>, vector<1x16xf32>,
        %get3A_172 = vector.shape_cast %get3A_171 : vector<1x16xf32> to vector<16xf32>
        %swap3A_173 = arith.index_cast %scan3A_141 : i32 to index
        %swap3A_174 = arith.constant 48 : index
        %swap3A_175 = tpu.vector_load %arg8[%swap3A_173, %swap3A_174] {strides = array<i32>} : memref<128x64xf32, #tpu.memory_space<vmem>>, vector<1x16xf32>,
        %swap3A_176 = vector.shape_cast %swap3A_175 : vector<1x16xf32> to vector<16xf32>
        %swap3A_177 = vector.shape_cast %get3A_172 : vector<16xf32> to vector<1x16xf32>
        tpu.vector_store %arg8[%swap3A_173, %swap3A_174], %swap3A_177 {add = true, strides = array<i32>} : memref<128x64xf32, #tpu.memory_space<vmem>>, vector<1x16xf32>,
        %scan3A_178 = arith.constant 3 : i32
        %scan3A_179 = arith.addi %scan3A_67, %scan3A_178 : i32
        %get3A_180 = arith.index_cast %scan3A_179 : i32 to index
        %get3A_181 = arith.constant 0 : index
        %get3A_182 = tpu.vector_load %arg7[%get3A_180, %get3A_181] {strides = array<i32>} : memref<128x64xf32, #tpu.memory_space<vmem>>, vector<1x16xf32>,
        %get3A_183 = vector.shape_cast %get3A_182 : vector<1x16xf32> to vector<16xf32>
        %swap3A_184 = arith.index_cast %scan3A_179 : i32 to index
        %swap3A_185 = arith.constant 0 : index
        %swap3A_186 = tpu.vector_load %arg8[%swap3A_184, %swap3A_185] {strides = array<i32>} : memref<128x64xf32, #tpu.memory_space<vmem>>, vector<1x16xf32>,
        %swap3A_187 = vector.shape_cast %swap3A_186 : vector<1x16xf32> to vector<16xf32>
        %swap3A_188 = vector.shape_cast %get3A_183 : vector<16xf32> to vector<1x16xf32>
        tpu.vector_store %arg8[%swap3A_184, %swap3A_185], %swap3A_188 {add = true, strides = array<i32>} : memref<128x64xf32, #tpu.memory_space<vmem>>, vector<1x16xf32>,
        %get3A_189 = arith.index_cast %scan3A_179 : i32 to index
        %get3A_190 = arith.constant 16 : index
        %get3A_191 = tpu.vector_load %arg7[%get3A_189, %get3A_190] {strides = array<i32>} : memref<128x64xf32, #tpu.memory_space<vmem>>, vector<1x16xf32>,
        %get3A_192 = vector.shape_cast %get3A_191 : vector<1x16xf32> to vector<16xf32>
        %swap3A_193 = arith.index_cast %scan3A_179 : i32 to index
        %swap3A_194 = arith.constant 16 : index
        %swap3A_195 = tpu.vector_load %arg8[%swap3A_193, %swap3A_194] {strides = array<i32>} : memref<128x64xf32, #tpu.memory_space<vmem>>, vector<1x16xf32>,
        %swap3A_196 = vector.shape_cast %swap3A_195 : vector<1x16xf32> to vector<16xf32>
        %swap3A_197 = vector.shape_cast %get3A_192 : vector<16xf32> to vector<1x16xf32>
        tpu.vector_store %arg8[%swap3A_193, %swap3A_194], %swap3A_197 {add = true, strides = array<i32>} : memref<128x64xf32, #tpu.memory_space<vmem>>, vector<1x16xf32>,
        %get3A_198 = arith.index_cast %scan3A_179 : i32 to index
        %get3A_199 = arith.constant 32 : index
        %get3A_200 = tpu.vector_load %arg7[%get3A_198, %get3A_199] {strides = array<i32>} : memref<128x64xf32, #tpu.memory_space<vmem>>, vector<1x16xf32>,
        %get3A_201 = vector.shape_cast %get3A_200 : vector<1x16xf32> to vector<16xf32>
        %swap3A_202 = arith.index_cast %scan3A_179 : i32 to index
        %swap3A_203 = arith.constant 32 : index
        %swap3A_204 = tpu.vector_load %arg8[%swap3A_202, %swap3A_203] {strides = array<i32>} : memref<128x64xf32, #tpu.memory_space<vmem>>, vector<1x16xf32>,
        %swap3A_205 = vector.shape_cast %swap3A_204 : vector<1x16xf32> to vector<16xf32>
        %swap3A_206 = vector.shape_cast %get3A_201 : vector<16xf32> to vector<1x16xf32>
        tpu.vector_store %arg8[%swap3A_202, %swap3A_203], %swap3A_206 {add = true, strides = array<i32>} : memref<128x64xf32, #tpu.memory_space<vmem>>, vector<1x16xf32>,
        %get3A_207 = arith.index_cast %scan3A_179 : i32 to index
        %get3A_208 = arith.constant 48 : index
        %get3A_209 = tpu.vector_load %arg7[%get3A_207, %get3A_208] {strides = array<i32>} : memref<128x64xf32, #tpu.memory_space<vmem>>, vector<1x16xf32>,
        %get3A_210 = vector.shape_cast %get3A_209 : vector<1x16xf32> to vector<16xf32>
        %swap3A_211 = arith.index_cast %scan3A_179 : i32 to index
        %swap3A_212 = arith.constant 48 : index
        %swap3A_213 = tpu.vector_load %arg8[%swap3A_211, %swap3A_212] {strides = array<i32>} : memref<128x64xf32, #tpu.memory_space<vmem>>, vector<1x16xf32>,
        %swap3A_214 = vector.shape_cast %swap3A_213 : vector<1x16xf32> to vector<16xf32>
        %swap3A_215 = vector.shape_cast %get3A_210 : vector<16xf32> to vector<1x16xf32>
        tpu.vector_store %arg8[%swap3A_211, %swap3A_212], %swap3A_215 {add = true, strides = array<i32>} : memref<128x64xf32, #tpu.memory_space<vmem>>, vector<1x16xf32>,
      }
      %scan3A_59 = arith.constant 128 : i32
      %add3A_60 = arith.constant 2 : i32
      %add3A_61 = arith.addi %add3A_32, %add3A_60 : i32
      %lt3A_62 = arith.constant 200 : i32
      %lt3A_63 = arith.cmpi slt, %add3A_61, %lt3A_62 : i32
      %convert_element_type3A_64 = arith.extui %lt3A_63 : i1 to i32
      %cond3A_65 = arith.constant 0 : i32
      %cond3A_66 = arith.cmpi ne, %convert_element_type3A_64, %cond3A_65 : i32
      scf.if %cond3A_66 {
        %add3A_67 = arith.constant 2 : i32
        %add3A_68 = arith.addi %add3A_32, %add3A_67 : i32
        %dma_start3A_69 = arith.constant 0 : i32
        %dma_start3A_70 = tpu.memref_slice %arg5[%add3A_68, %dma_start3A_69] : memref<200x128xi32, #tpu.memory_space<vmem>> -> memref<1x128xi32, #tpu.memory_space<vmem>>
        %dma_start3A_71 = tpu.memref_squeeze %dma_start3A_70 : memref<1x128xi32, #tpu.memory_space<vmem>> -> memref<128xi32, #tpu.memory_space<vmem>>
        %dma_start3A_72 = arith.constant 0 : i32
        %dma_start3A_73 = arith.constant 0 : i32
        %dma_start3A_74 = tpu.memref_slice %arg3[%dma_start3A_72, %dma_start3A_73] : memref<1000000x64xf32, #tpu.memory_space<hbm>> -> memref<1000000x64xf32, #tpu.memory_space<hbm>>
        tpu.enqueue_indirect_dma source(%dma_start3A_74 : memref<1000000x64xf32, #tpu.memory_space<hbm>>) target(%arg7 : memref<128x64xf32, #tpu.memory_space<vmem>>) offsets(%dma_start3A_71 : memref<128xi32, #tpu.memory_space<vmem>>) semaphore(%arg10 : memref<!tpu.dma_semaphore, #tpu.memory_space<semaphore_mem>>)
      } else {
      }
    }
    %scan3A_27 = arith.constant 100 : i32
    "tpu.region"() ({
      %run_scoped3A = tpu.sem_alloc : memref<!tpu.dma_semaphore, #tpu.memory_space<semaphore_mem>>
      %dma_start3A_28 = arith.constant 0 : i32
      %dma_start3A_29 = tpu.memref_slice %arg4[%mul3A_2, %dma_start3A_28] : memref<4096x64xf32, #tpu.memory_space<hbm>> -> memref<128x64xf32, #tpu.memory_space<hbm>>
      %dma_start3A_30 = arith.constant 0 : i32
      %dma_start3A_31 = tpu.memref_slice %arg4[%mul3A_2, %dma_start3A_30] : memref<4096x64xf32, #tpu.memory_space<hbm>> -> memref<128x64xf32, #tpu.memory_space<hbm>>
      tpu.enqueue_dma source(%arg8 : memref<128x64xf32, #tpu.memory_space<vmem>>) target(%dma_start3A_31 : memref<128x64xf32, #tpu.memory_space<hbm>>) target_semaphore(%run_scoped3A : memref<!tpu.dma_semaphore, #tpu.memory_space<semaphore_mem>>)
      %dma_wait3A = arith.constant 0 : i32
      %dma_wait3A_32 = tpu.memref_slice %arg4[%mul3A_2, %dma_wait3A] : memref<4096x64xf32, #tpu.memory_space<hbm>> -> memref<128x64xf32, #tpu.memory_space<hbm>>
      %dma_wait3A_33 = arith.constant 0 : i32
      %dma_wait3A_34 = tpu.memref_slice %arg4[%mul3A_2, %dma_wait3A_33] : memref<4096x64xf32, #tpu.memory_space<hbm>> -> memref<128x64xf32, #tpu.memory_space<hbm>>
      tpu.wait_dma2 semaphore(%run_scoped3A : memref<!tpu.dma_semaphore, #tpu.memory_space<semaphore_mem>>) src(%arg8 : memref<128x64xf32, #tpu.memory_space<vmem>>) dst(%dma_wait3A_34 : memref<128x64xf32, #tpu.memory_space<hbm>>)
      tpu.yield
    }) : () -> ()
    return
  }
}

</mosaic_0001>

<sc_bundles>
// kernel: _gather_pool.3.cloned.1.call-start
scs
__scs_entry_jumppad:
0x0: {  	(pc) =	sbr.rel $0x88, $3  }
0x1: {  	(tag) =	ssettag $0x0;
	lr =	simm.s32 $0x1  }
0x2: {  	[smem:$0x3F9F] =	sst lr;
	_ =	strace $0xD0000000  }
0x3: {  	_ = 	snop  }
0x4: {  	_ = 	snop  }
0x5: {  	_ = 	snop  }
0x6: {  	_ = 	snop  }
0x7: {  	_ = 	snop  }
__scs_overlays_trampoline_lowered:
0x8: {  	[smem:$0x3FAE] =	sst s0  }
0x9: {  	[smem:$0x3FAF] =	sst s1  }
0xa: {  	[smem:$0x3FB0] =	sst s2  }
0xb: {  	[smem:$0x3FB1] =	sst s3  }
0xc: {  	[smem:$0x3FB2] =	sst s4  }
0xd: {  	[smem:$0x3FB3] =	sst s5  }
0xe: {  	[smem:$0x3FB4] =	sst s6  }
0xf: {  	[smem:$0x3FB5] =	sst s7  }
0x10: {  	[smem:$0x3FB6] =	sst s8  }
0x11: {  	[smem:$0x3FB7] =	sst s9;
	s0 =	simm.s32 @!p0 $0x0  }
0x12: {  	s1 =	sld [smem:$0x3F9D];
	s0 =	simm.s32 @p0 $0x1  }
0x13: {  	[smem:$0x3FB8] =	sst s0;
	s0 =	simm.s32 @!p1 $0x0  }
0x14: {  	s2 =	sld [smem:$0x3F9C];
	s0 =	simm.s32 @p1 $0x1  }
0x15: {  	[smem:$0x3FB9] =	sst s0;
	s0 =	simm.s32 @!p2 $0x0  }
0x16: {  	s3 =	sld [smem:$0x3FDB];
	s0 =	simm.s32 @p2 $0x1  }
0x17: {  	s4 =	simm.s32 $0x1BF5;
	[smem:$0x3FBB] =	sst s0  }
0x18: {  	s0 =	sld [smem:$0x3F9E];
	_ =	swait.ge [sflag:s4], $0x0  }
0x19: {  	s7 =	sld [smem:$0x3F9F]  }
0x1a: {  	s8 =	sadd.s32 $0xFFFFE003, lr  }
0x1b: {  	s9 =	sadd.s32 $0xFFFFFEF7, lr;
	s5 =	simm.s32 $0xFFFFFFFF;
	p2 =	slt.u32 s8, $0xFFFFF086  }
0x1c: {  	p1 =	slt.u32 s9, $0xF7A;
	s5 =	simm.s32 @!p2 $0x0  }
0x1d: {  	s5 =	simm.s32 @p1 $0x1;
	p0 =	seq.s32 s7, s2  }
0x1e: {  	s7 =	smul.u32 @!p0 $0xF7A, s2;
	p2 =	seq.s32 @!p0 s5, $0x0  }
0x1f: {  	s9 =	smul.u32 $0xF7A, s1;
	s8 =	simm.s32 @!p0 $0x1BF5;
	p2 =	por !p2, p0  }
0x20: {  	[sflag:s8] =	ssyncset.s32 @!p0 $0xFFFFF086;
	s6 =	sadd.s32 @!p0 s3, s7;
	s7 =	simm.s32 @!p0 $0x108  }
0x21: {  	s3 =	sadd.s32 s3, s9;
	s6 =	sadd.s32 @!p0 $0x88, s6;
	s7 =	simm.s32 @p2 $0x1082  }
0x22: {  	[simem:s7], [sflag:s8] =	dma.local @!p0 [hbm:s6], $0xF7A  }
0x23: {  	s9 =	sor.u32 $0xD0000000, s2;
	s6 =	simm.s32 $0x108;
	_ =	swait.ge @!p0 [sflag:s8], $0x0  }
0x24: {  	s3 =	sadd.s32 $0x88, s3;
	s6 =	simm.s32 @!p1 $0x1082;
	[sflag:s4] =	ssyncset.s32 $0xFFFFF086  }
0x25: {  	[simem:s6], [sflag:s4] =	dma.local [hbm:s3], $0xF7A  }
0x26: {  	[smem:$0x3F9F] =	sst s1;
	(tag) =	ssettag s2;
	_ =	strace s9  }
0x27: {  	s1 =	sld [smem:$0x3FAF]  }
0x28: {  	s2 =	sld [smem:$0x3FB0]  }
0x29: {  	s4 =	sld [smem:$0x3FB2]  }
0x2a: {  	p0 =	seq.s32 s5, $0x0;
	s5 =	sld [smem:$0x3FB3]  }
0x2b: {  	s6 =	sld [smem:$0x3FB4]  }
0x2c: {  	s7 =	sld [smem:$0x3FB5]  }
0x2d: {  	s3 =	simm.s32 $0x108;
	s8 =	sld [smem:$0x3FB6]  }
0x2e: {  	s3 =	simm.s32 @!p0 $0x1082;
	s9 =	sld [smem:$0x3FB7]  }
0x2f: {  	lr =	sadd.s32 s0, s3;
	s0 =	sld [smem:$0x3FAE]  }
0x30: {  	s3 =	sld [smem:$0x3FB1]  }
0x31: {  	[smem:$0x3FBA] =	sst s10  }
0x32: {  	s10 =	sld [smem:$0x3FB8];
	_ =	sdelay $0x3  }
0x33: {  	p0 =	seq.s32 s10, $0x1;
	s10 =	sld [smem:$0x3FBA];
	_ =	sdelay $0x3  }
0x34: {  	[smem:$0x3FBA] =	sst s10  }
0x35: {  	s10 =	sld [smem:$0x3FB9];
	_ =	sdelay $0x3  }
0x36: {  	p1 =	seq.s32 s10, $0x1;
	s10 =	sld [smem:$0x3FBA];
	_ =	sdelay $0x3  }
0x37: {  	[smem:$0x3FBA] =	sst s10  }
0x38: {  	s10 =	sld [smem:$0x3FBB]  }
0x39: {  	_ = 	snop;
	(pc) =	sbr.ind lr, $3  }
0x3a: {  	_ = 	snop  }
0x3b: {  	_ = 	snop  }
0x3c: {  	p2 =	seq.s32 s10, $0x1;
	s10 =	sld [smem:$0x3FBA]  }
0x3d: {  	_ =	shalt  }
0x3e: {  	_ =	shalt  }
0x3f: {  	_ =	shalt  }
0x40: {  	_ =	shalt  }
0x41: {  	_ =	shalt  }
0x42: {  	_ =	shalt  }
0x43: {  	_ =	shalt  }
0x44: {  	_ =	shalt  }
0x45: {  	_ =	shalt  }
0x46: {  	_ =	shalt  }
0x47: {  	_ =	shalt  }
0x48: {  	_ =	shalt  }
0x49: {  	_ =	shalt  }
0x4a: {  	_ =	shalt  }
0x4b: {  	_ =	shalt  }
0x4c: {  	_ =	shalt  }
0x4d: {  	_ =	shalt  }
0x4e: {  	_ =	shalt  }
0x4f: {  	_ =	shalt  }
0x50: {  	_ =	shalt  }
0x51: {  	_ =	shalt  }
0x52: {  	_ =	shalt  }
0x53: {  	_ =	shalt  }
0x54: {  	_ =	shalt  }
0x55: {  	_ =	shalt  }
0x56: {  	_ =	shalt  }
0x57: {  	_ =	shalt  }
0x58: {  	_ =	shalt  }
0x59: {  	_ =	shalt  }
0x5a: {  	_ =	shalt  }
0x5b: {  	_ =	shalt  }
0x5c: {  	_ =	shalt  }
0x5d: {  	_ =	shalt  }
0x5e: {  	_ =	shalt  }
0x5f: {  	_ =	shalt  }
0x60: {  	_ =	shalt  }
0x61: {  	_ =	shalt  }
0x62: {  	_ =	shalt  }
0x63: {  	_ =	shalt  }
0x64: {  	_ =	shalt  }
0x65: {  	_ =	shalt  }
0x66: {  	_ =	shalt  }
0x67: {  	_ =	shalt  }
0x68: {  	_ =	shalt  }
0x69: {  	_ =	shalt  }
0x6a: {  	_ =	shalt  }
0x6b: {  	_ =	shalt  }
0x6c: {  	_ =	shalt  }
0x6d: {  	_ =	shalt  }
0x6e: {  	_ =	shalt  }
0x6f: {  	_ =	shalt  }
0x70: {  	_ =	shalt  }
0x71: {  	_ =	shalt  }
0x72: {  	_ =	shalt  }
0x73: {  	_ =	shalt  }
0x74: {  	_ =	shalt  }
0x75: {  	_ =	shalt  }
0x76: {  	_ =	shalt  }
0x77: {  	_ =	shalt  }
0x78: {  	_ =	shalt  }
0x79: {  	_ =	shalt  }
0x7a: {  	_ =	shalt  }
0x7b: {  	_ =	shalt  }
0x7c: {  	_ =	shalt  }
0x7d: {  	_ =	shalt  }
0x7e: {  	_ =	shalt  }
0x7f: {  	_ =	shalt  }
0x80: {  	_ =	shalt  }
0x81: {  	_ =	shalt  }
0x82: {  	_ =	shalt  }
0x83: {  	_ =	shalt  }
0x84: {  	_ =	shalt  }
0x85: {  	_ =	shalt  }
0x86: {  	_ =	shalt  }
0x87: {  	_ =	shalt  }
.Lfunc_end0:
.L_simem_size_0:
called_computation_lowered:
.L_overlay_start_0:
0x88: {  	s2 =	sld [smem:$0x3FD9]  }
0x89: {  	s3 =	sld [smem:$0x3FFE];
	_ =	sdelay $0x1  }
0x8a: {  	s1 =	srdreg.scid  }
0x8b: {  	s0 =	sand.u32 $0x1, s1  }
0x8c: {  	s17 =	sshll.u32 s0, $0xA;
	s2 =	sadd.s32 s3, s2  }
0x8d: {  	s2 =	sadd.s32 s2, s17  }
0x8e: {  	[smem:$0x3FC6] =	sst s2  }
0x8f: {  	_ = 	snop  }
0x90: {  	s2 =	sld [smem:$0x3FD0];
	(tm) =	ssettm $0x1  }
0x91: {  	s18 =	sld [smem:$0x3FFB];
	_ =	sdelay $0x3  }
0x92: {  	_ =	strace s18  }
0x93: {  	s3 =	sld [smem:$0x3FFC];
	_ =	sdelay $0x3  }
0x94: {  	_ =	strace s3  }
0x95: {  	s3 =	sld [smem:$0x3FFD];
	_ =	sdelay $0x3  }
0x96: {  	_ =	strace s3  }
0x97: {  	_ =	strace $0x8FFFFFFF  }
0x98: {  	s19 =	sld [smem:$0x3FDB];
	_ =	sdelay $0x1  }
0x99: {  	s4 =	simm.s32 $_scs_section_size  }
0x9a: {  	s5 =	simm.s32 $_size__tile_overlayer_lowered;
	s6 =	simm.s32 $_tile_overlayer_lowered  }
0x9b: {  	s22 =	simm.s32 $0x1BFF;
	s21 =	sshll.u32 s6, $0x1;
	s3 =	sadd.s32 s4, s19  }
0x9c: {  	s7 =	simm.s32 $0x0;
	s20 =	sshll.u32 s5, $0x1;
	s5 =	sadd.s32 s21, s3  }
0x9d: {  	[timem:s7], [sflag:s22] =	dma.local [hbm:s5], s20  }
0x9e: {  	_ =	swait.ge [sflag:s22], s20  }
0x9f: {  	s4 =	ssub.s32 $0x0, s20;
	[sflag:s22] =	ssyncset.done $0x0  }
0xa0: {  	[sflag:s22] =	ssyncadd.s32 s4;
	_ =	sdelay $0x1  }
0xa1: {  	s23 =	simm.s32 $0x1B8B  }
0xa2: {  	_ =	swait.ge [sflag:s23], $0x1  }
0xa3: {  	[sflag:s23] =	ssyncset.done $0x0  }
0xa4: {  	s25 =	simm.s32 $0x1B8E;
	s24 =	sld [smem:$0x3FFE];
	[sflag:s23] =	ssyncadd.s32 $0xFFFFFFFF  }
0xa5: {  	s26 =	simm.s32 $execute0_lowered;
	[smem:$0x3FD2] =	sst s25  }
0xa6: {  	s5 =	sshll.u32 s26, $0x1;
	_ =	strace $0x80000046;
	[dreg:$0x1] =	wrdreg $0xFFFFFFFF  }
0xa7: {  	s28 =	simm.s32 $_size_execute0_lowered;
	s3 =	sadd.s32 s3, s5;
	[dreg:$0x0] =	wrdreg $0x0  }
0xa8: {  	s5 =	sshll.u32 s28, $0x1;
	[dreg:$0x2] =	wrdreg s3  }
0xa9: {  	[dreg:$0x3] =	wrdreg s5  }
0xaa: {  	[dreg:$0x4] =	wrdreg $0xC0  }
0xab: {  	_ =	task [dreg:s7], $0x5FFFF  }
0xac: {  	[dreg:$0x1] =	wrdreg $0xFFFFFFFF  }
0xad: {  	[dreg:$0x0] =	wrdreg $0x60  }
0xae: {  	[dreg:$0x2] =	wrdreg s24  }
0xaf: {  	[dreg:$0x3] =	wrdreg s2  }
0xb0: {  	[dreg:$0x4] =	wrdreg $0x9  }
0xb1: {  	_ =	task.clear_ibuf [dreg:s7], $0x5FFFF;
	_ =	strace $0x90000046  }
0xb2: {  	s29 =	simm.s32 $0x9;
	_ =	strace $0x80000048  }
0xb3: {  	_ =	swait.ge [sflag:s29], $0x1  }
0xb4: {  	[sflag:s29] =	ssyncadd.s32 $0xFFFFFFFF  }
0xb5: {  	_ =	strace $0x90000048  }
0xb6: {  	_ =	sfence  }
0xb7: {  	s30 =	sld [smem:$0x0];
	_ =	sdelay $0x2  }
0xb8: {  	s31 =	sshll.u32 s1, $0xD;
	s1 =	sshrl.u32 s1, $0x2  }
0xb9: {  	s3 =	sand.u32 $0x4000, s31;
	s1 =	sadd.s32 s1, s30  }
0xba: {  	s0 =	sor.u32 s3, s0;
	s1 =	sshll.u32 s1, $0x11  }
0xbb: {  	s0 =	sor.u32 s1, s0  }
0xbc: {  	s0 =	sadd.s32 $0x8F2B, s0  }
0xbd: {  	[sflag:s0] =	ssyncadd.remote.s32 $0x1  }
0xbe: {  	_ =	sfence.sel $0xFFFF  }
0xbf: {  	[dreg:$0x0] =	wrdreg $0xFFFFFFFF;
	(pc) =	sbr.abs _section_cstart, $3  }
0xc0: {  	[dreg:$0x1] =	wrdreg $0xFFFFFFFF  }
0xc1: {  	_ =	task.clear_ibuf [dreg:s7], $0x2FFFF;
	_ =	strace $0x9FFFFFFF  }
0xc2: {  	(tm) =	ssettm $0x7FFFFFFF  }
0xc3: {  	_ =	shalt  }
tec
execute0_lowered:
.L_overlay_start_1:
0x0: {  	(tag) =	ssettag $0x1  }
0x1: {  	s1 =	srdreg.scid;
	s3 =	rddreg [dreg:$0x0]  }
0x2: {  	s0 =	stileid.u32;
	s5 =	rddreg [dreg:$0x1];
	s2 =	simm.s32 $0x0  }
0x3: {  	s9 =	simm.s32 $0x3;
	s10 =	simm.s32 $0x6400;
	s11 =	simm.s32 $0x8400  }
0x4: {  	s12 =	simm.s32 $0x1;
	s13 =	simm.s32 $0x2;
	s14 =	simm.s32 $0xA400  }
0x5: {  	s15 =	simm.s32 $0x0;
	s4 =	sand.u32 $0x1, s1;
	s1 =	rddreg [dreg:$0x2]  }
0x6: {  	s6 =	sshll.u32 s0, $0x8;
	[smem:$0x7FF] =	sst s2;
	s7 =	sshll.u32 s4, $0x7  }
.Ltmp0:
0x7: {  	s4 =	ssub.s32 $0x2, s4;
	s6 =	sor.u32 s7, s6;
	(pc) =	sbr.rel .LBB2_1-.Ltmp0, $4  }
0x8: {  	_ =	strace $0x80000047;
	s8 =	sshrl.u32 s4, $0x1;
	s7 =	sshrl.u32 s6, $0x3  }
0x9: {  	s8 =	ssub.s32 s4, s8;
	s6 =	sshll.u32 s6, $0x3;
	s7 =	sadd.s32 s7, s3  }
0xa: {  	s3 =	sadd.s32 $0xF42A00, s3;
	s5 =	sadd.s32 s5, s6;
	s6 =	smax.u32 s8, $0x1  }
0xb: {  	v0 =	vimm.f32 $0.0e+00;
	s8 =	simm.s32 $0x1000;
	s4 =	sadd.s32 $0x600, s7;
	s7 =	simm.s32 $0x80  }
.LBB2_10:
0xc: {  	s15 =	sadd.s32 $0x1, s15  }
0xd: {  	p0 =	sne.s32 s15, s6  }
.Ltmp1:
0xe: {  	_ = 	snop;
	(pc) =	sbr.rel @!p0 .LBB2_11-.Ltmp1, $4  }
0xf: {  	[hbm4b:s5+s2] =	stream.linear.scatter [tilespmem:s14], [sflag:$0x3], $0x2000, $0x38;
	[tilespmem:$0xC400] =	vst v63  }
0x10: {  	_ =	swait.ge [sflag:s9], $0x2000  }
0x11: {  	[sflag:s9] =	ssyncset.done $0x0  }
0x12: {  	[sflag:s9] =	ssyncadd.s32 $0xFFFFE000  }
.LBB2_1:
0x13: {  	[tilespmem:s2], [sflag:$0x3] =	stream.strided.gather [hbm4b:s4+s7], $0x6400, s8, s7, $0x38;
	[tilespmem:$0xC400] =	vst v63  }
0x14: {  	_ =	swait.ge [sflag:s9], $0x6400  }
0x15: {  	[sflag:s9] =	ssyncset.done $0x0  }
0x16: {  	s16 =	simm.s32 $0xA480;
	[sflag:s9] =	ssyncadd.s32 $0xFFFF9C00  }
0x17: {  	[tilespmem:s16+$0xFFFFFF80] =	vst v0  }
0x18: {  	[tilespmem:s16+$0x70] =	vst v0  }
0x19: {  	[tilespmem:s16+$0x60] =	vst v0  }
0x1a: {  	[tilespmem:s16+$0x50] =	vst v0  }
0x1b: {  	[tilespmem:s16+$0x40] =	vst v0  }
0x1c: {  	[tilespmem:s16+$0x30] =	vst v0  }
0x1d: {  	[tilespmem:s16+$0x20] =	vst v0  }
0x1e: {  	[tilespmem:s16+$0x10] =	vst v0  }
0x1f: {  	[tilespmem:s16+$0x0] =	vst v0  }
0x20: {  	[tilespmem:s16+$0xFFFFFFF0] =	vst v0  }
0x21: {  	[tilespmem:s16+$0xFFFFFFE0] =	vst v0  }
0x22: {  	[tilespmem:s16+$0xFFFFFFD0] =	vst v0  }
0x23: {  	[tilespmem:s16+$0xFFFFFFC0] =	vst v0  }
0x24: {  	[tilespmem:s16+$0xFFFFFFB0] =	vst v0  }
0x25: {  	s17 =	simm.s32 $0x0;
	[tilespmem:s16+$0xFFFFFFA0] =	vst v0  }
.LBB2_2:
0x26: {  	s17 =	sadd.s32 $0x4, s17;
	[tilespmem:s16+$0xFFFFFF90] =	vst v0;
	s16 =	sadd.s32 $0x100, s16  }
0x27: {  	[tilespmem:s16+$0xFFFFFF80] =	vst v0;
	p0 =	slt.u32 s17, $0x7C  }
0x28: {  	[tilespmem:s16+$0x70] =	vst v0  }
0x29: {  	[tilespmem:s16+$0x60] =	vst v0  }
0x2a: {  	[tilespmem:s16+$0x50] =	vst v0  }
0x2b: {  	[tilespmem:s16+$0x40] =	vst v0  }
0x2c: {  	[tilespmem:s16+$0x30] =	vst v0  }
0x2d: {  	[tilespmem:s16+$0x20] =	vst v0  }
0x2e: {  	[tilespmem:s16+$0x10] =	vst v0  }
0x2f: {  	[tilespmem:s16+$0x0] =	vst v0  }
0x30: {  	[tilespmem:s16+$0xFFFFFFF0] =	vst v0  }
.Ltmp2:
0x31: {  	[tilespmem:s16+$0xFFFFFFE0] =	vst v0;
	(pc) =	sbr.rel @p0 .LBB2_2-.Ltmp2, $4  }
0x32: {  	[tilespmem:s16+$0xFFFFFFD0] =	vst v0  }
0x33: {  	[tilespmem:s16+$0xFFFFFFC0] =	vst v0  }
0x34: {  	[tilespmem:s16+$0xFFFFFFB0] =	vst v0  }
0x35: {  	[tilespmem:s16+$0xFFFFFFA0] =	vst v0  }
0x36: {  	[tilespmem:s16+$0xFFFFFF90] =	vst v0;
	s16 =	simm.s32 $0x0  }
0x37: {  	[tilespmem:s10], [sflag:$0x1] =	stream.indirect.gather [hbm4b:s3+s7], $0x40, s16, s7, $0xb8;
	[tilespmem:$0xC400] =	vst v63  }
0x38: {  	_ = 	snop  }
0x39: {  	[tilespmem:s11], [sflag:$0x2] =	stream.indirect.gather [hbm4b:s3+s7], $0x40, s7, s7, $0xb8;
	[tilespmem:$0xC400] =	vst v63  }
.LBB2_4:
0x3a: {  	_ =	swait.ge [sflag:s12], $0x2000  }
0x3b: {  	[sflag:s12] =	ssyncset.done $0x0  }
0x3c: {  	s18 =	simm.s32 $0x0;
	[sflag:s12] =	ssyncadd.s32 $0xFFFFE000  }
0x3d: {  	v1 =	vld [tilespmem:s18+$0x64F0]  }
0x3e: {  	v2 =	vld [tilespmem:s18+$0x6400]  }
0x3f: {  	v3 =	vld [tilespmem:s18+$0x6410]  }
0x40: {  	v4 =	vld [tilespmem:s18+$0x6420]  }
0x41: {  	v5 =	vld [tilespmem:s18+$0x6430]  }
0x42: {  	v6 =	vld [tilespmem:s18+$0x6440]  }
0x43: {  	v7 =	vld [tilespmem:s18+$0x6450]  }
0x44: {  	v8 =	vld [tilespmem:s18+$0x6460]  }
0x45: {  	v9 =	vld [tilespmem:s18+$0x6470]  }
0x46: {  	v10 =	vld [tilespmem:s18+$0x6480]  }
0x47: {  	v11 =	vld [tilespmem:s18+$0x6490]  }
0x48: {  	v12 =	vld [tilespmem:s18+$0x64A0]  }
0x49: {  	v13 =	vld [tilespmem:s18+$0x64B0]  }
0x4a: {  	v14 =	vld [tilespmem:s18+$0x64C0]  }
0x4b: {  	v15 =	vld [tilespmem:s18+$0x64D0]  }
0x4c: {  	[tilespmem:s18+$0xA4F0] =	vst.add.f32.msk $0xffff, v1  }
0x4d: {  	v1 =	vld [tilespmem:s18+$0x64E0]  }
0x4e: {  	[tilespmem:s18+$0xA400] =	vst.add.f32.msk $0xffff, v2  }
0x4f: {  	[tilespmem:s18+$0xA410] =	vst.add.f32.msk $0xffff, v3  }
0x50: {  	[tilespmem:s18+$0xA420] =	vst.add.f32.msk $0xffff, v4  }
0x51: {  	[tilespmem:s18+$0xA430] =	vst.add.f32.msk $0xffff, v5  }
0x52: {  	[tilespmem:s18+$0xA440] =	vst.add.f32.msk $0xffff, v6  }
0x53: {  	[tilespmem:s18+$0xA450] =	vst.add.f32.msk $0xffff, v7  }
0x54: {  	[tilespmem:s18+$0xA460] =	vst.add.f32.msk $0xffff, v8  }
0x55: {  	[tilespmem:s18+$0xA470] =	vst.add.f32.msk $0xffff, v9  }
0x56: {  	[tilespmem:s18+$0xA480] =	vst.add.f32.msk $0xffff, v10  }
0x57: {  	[tilespmem:s18+$0xA490] =	vst.add.f32.msk $0xffff, v11  }
0x58: {  	[tilespmem:s18+$0xA4A0] =	vst.add.f32.msk $0xffff, v12  }
0x59: {  	[tilespmem:s18+$0xA4B0] =	vst.add.f32.msk $0xffff, v13  }
0x5a: {  	[tilespmem:s18+$0xA4C0] =	vst.add.f32.msk $0xffff, v14  }
0x5b: {  	s17 =	simm.s32 $0x0;
	s19 =	simm.s32 $0x400;
	[tilespmem:s18+$0xA4D0] =	vst.add.f32.msk $0xffff, v15  }
.LBB2_5:
0x5c: {  	s17 =	sadd.s32 $0x4, s17;
	[tilespmem:s18+$0xA4E0] =	vst.add.f32.msk $0xffff, v1;
	s18 =	sshra.s32 s19, $0x2  }
0x5d: {  	v1 =	vld [tilespmem:s18+$0x64F0];
	p0 =	slt.u32 s17, $0x7C  }
0x5e: {  	v2 =	vld [tilespmem:s18+$0x6400]  }
0x5f: {  	v3 =	vld [tilespmem:s18+$0x6410]  }
0x60: {  	v4 =	vld [tilespmem:s18+$0x6420]  }
0x61: {  	v5 =	vld [tilespmem:s18+$0x6430]  }
0x62: {  	[tilespmem:s18+$0xA4F0] =	vst.add.f32.msk $0xffff, v1  }
0x63: {  	v6 =	vld [tilespmem:s18+$0x6440]  }
0x64: {  	v7 =	vld [tilespmem:s18+$0x6450]  }
0x65: {  	v8 =	vld [tilespmem:s18+$0x6460]  }
0x66: {  	v9 =	vld [tilespmem:s18+$0x6470]  }
0x67: {  	v10 =	vld [tilespmem:s18+$0x6480]  }
0x68: {  	v11 =	vld [tilespmem:s18+$0x6490]  }
0x69: {  	v12 =	vld [tilespmem:s18+$0x64A0]  }
0x6a: {  	v13 =	vld [tilespmem:s18+$0x64B0]  }
0x6b: {  	v14 =	vld [tilespmem:s18+$0x64C0]  }
0x6c: {  	v15 =	vld [tilespmem:s18+$0x64D0]  }
0x6d: {  	v1 =	vld [tilespmem:s18+$0x64E0]  }
0x6e: {  	[tilespmem:s18+$0xA400] =	vst.add.f32.msk $0xffff, v2  }
0x6f: {  	[tilespmem:s18+$0xA410] =	vst.add.f32.msk $0xffff, v3  }
0x70: {  	[tilespmem:s18+$0xA420] =	vst.add.f32.msk $0xffff, v4  }
0x71: {  	[tilespmem:s18+$0xA430] =	vst.add.f32.msk $0xffff, v5  }
0x72: {  	[tilespmem:s18+$0xA440] =	vst.add.f32.msk $0xffff, v6  }
0x73: {  	[tilespmem:s18+$0xA450] =	vst.add.f32.msk $0xffff, v7  }
0x74: {  	[tilespmem:s18+$0xA460] =	vst.add.f32.msk $0xffff, v8  }
0x75: {  	[tilespmem:s18+$0xA470] =	vst.add.f32.msk $0xffff, v9  }
0x76: {  	[tilespmem:s18+$0xA480] =	vst.add.f32.msk $0xffff, v10  }
.Ltmp3:
0x77: {  	[tilespmem:s18+$0xA490] =	vst.add.f32.msk $0xffff, v11;
	(pc) =	sbr.rel @p0 .LBB2_5-.Ltmp3, $4  }
0x78: {  	[tilespmem:s18+$0xA4A0] =	vst.add.f32.msk $0xffff, v12  }
0x79: {  	[tilespmem:s18+$0xA4B0] =	vst.add.f32.msk $0xffff, v13  }
0x7a: {  	[tilespmem:s18+$0xA4C0] =	vst.add.f32.msk $0xffff, v14  }
0x7b: {  	s19 =	sadd.s32 $0x400, s19;
	[tilespmem:s18+$0xA4D0] =	vst.add.f32.msk $0xffff, v15  }
0x7c: {  	s17 =	sshll.u32 s16, $0xA;
	p0 =	seq.s32 s16, $0x63  }
0x7d: {  	s19 =	sshrl.u32 @!p0 s17, $0x2  }
0x7e: {  	[tilespmem:s18+$0xA4E0] =	vst.add.f32.msk $0xffff, v1;
	s20 =	simm.s32 @!p0 $0x6400;
	s18 =	sadd.s32 @!p0 $0x100, s19;
	s19 =	simm.s32 @!p0 $0x80  }
0x7f: {  	[tilespmem:s20], [sflag:$0x1] =	stream.indirect.gather @!p0 [hbm4b:s3+s19], $0x40, s18, s19, $0xb8;
	[tilespmem:$0xC400] =	vst v63  }
0x80: {  	_ =	swait.ge [sflag:s13], $0x2000  }
0x81: {  	[sflag:s13] =	ssyncset.done $0x0  }
0x82: {  	s18 =	simm.s32 $0x0;
	[sflag:s13] =	ssyncadd.s32 $0xFFFFE000  }
0x83: {  	v1 =	vld [tilespmem:s18+$0x84F0]  }
0x84: {  	v2 =	vld [tilespmem:s18+$0x8400]  }
0x85: {  	v3 =	vld [tilespmem:s18+$0x8410]  }
0x86: {  	v4 =	vld [tilespmem:s18+$0x8420]  }
0x87: {  	v5 =	vld [tilespmem:s18+$0x8430]  }
0x88: {  	v6 =	vld [tilespmem:s18+$0x8440]  }
0x89: {  	v7 =	vld [tilespmem:s18+$0x8450]  }
0x8a: {  	v8 =	vld [tilespmem:s18+$0x8460]  }
0x8b: {  	v9 =	vld [tilespmem:s18+$0x8470]  }
0x8c: {  	v10 =	vld [tilespmem:s18+$0x8480]  }
0x8d: {  	v11 =	vld [tilespmem:s18+$0x8490]  }
0x8e: {  	v12 =	vld [tilespmem:s18+$0x84A0]  }
0x8f: {  	v13 =	vld [tilespmem:s18+$0x84B0]  }
0x90: {  	v14 =	vld [tilespmem:s18+$0x84C0]  }
0x91: {  	v15 =	vld [tilespmem:s18+$0x84D0]  }
0x92: {  	[tilespmem:s18+$0xA4F0] =	vst.add.f32.msk $0xffff, v1  }
0x93: {  	v1 =	vld [tilespmem:s18+$0x84E0]  }
0x94: {  	[tilespmem:s18+$0xA400] =	vst.add.f32.msk $0xffff, v2  }
0x95: {  	[tilespmem:s18+$0xA410] =	vst.add.f32.msk $0xffff, v3  }
0x96: {  	[tilespmem:s18+$0xA420] =	vst.add.f32.msk $0xffff, v4  }
0x97: {  	[tilespmem:s18+$0xA430] =	vst.add.f32.msk $0xffff, v5  }
0x98: {  	[tilespmem:s18+$0xA440] =	vst.add.f32.msk $0xffff, v6  }
0x99: {  	[tilespmem:s18+$0xA450] =	vst.add.f32.msk $0xffff, v7  }
0x9a: {  	[tilespmem:s18+$0xA460] =	vst.add.f32.msk $0xffff, v8  }
0x9b: {  	[tilespmem:s18+$0xA470] =	vst.add.f32.msk $0xffff, v9  }
0x9c: {  	[tilespmem:s18+$0xA480] =	vst.add.f32.msk $0xffff, v10  }
0x9d: {  	[tilespmem:s18+$0xA490] =	vst.add.f32.msk $0xffff, v11  }
0x9e: {  	[tilespmem:s18+$0xA4A0] =	vst.add.f32.msk $0xffff, v12  }
0x9f: {  	[tilespmem:s18+$0xA4B0] =	vst.add.f32.msk $0xffff, v13  }
0xa0: {  	[tilespmem:s18+$0xA4C0] =	vst.add.f32.msk $0xffff, v14  }
0xa1: {  	s19 =	simm.s32 $0x0;
	s20 =	simm.s32 $0x400;
	[tilespmem:s18+$0xA4D0] =	vst.add.f32.msk $0xffff, v15  }
.LBB2_7:
0xa2: {  	s19 =	sadd.s32 $0x4, s19;
	[tilespmem:s18+$0xA4E0] =	vst.add.f32.msk $0xffff, v1;
	s18 =	sshra.s32 s20, $0x2  }
0xa3: {  	v1 =	vld [tilespmem:s18+$0x84F0];
	p1 =	slt.u32 s19, $0x7C  }
0xa4: {  	v2 =	vld [tilespmem:s18+$0x8400]  }
0xa5: {  	v3 =	vld [tilespmem:s18+$0x8410]  }
0xa6: {  	v4 =	vld [tilespmem:s18+$0x8420]  }
0xa7: {  	v5 =	vld [tilespmem:s18+$0x8430]  }
0xa8: {  	[tilespmem:s18+$0xA4F0] =	vst.add.f32.msk $0xffff, v1  }
0xa9: {  	v6 =	vld [tilespmem:s18+$0x8440]  }
0xaa: {  	v7 =	vld [tilespmem:s18+$0x8450]  }
0xab: {  	v8 =	vld [tilespmem:s18+$0x8460]  }
0xac: {  	v9 =	vld [tilespmem:s18+$0x8470]  }
0xad: {  	v10 =	vld [tilespmem:s18+$0x8480]  }
0xae: {  	v11 =	vld [tilespmem:s18+$0x8490]  }
0xaf: {  	v12 =	vld [tilespmem:s18+$0x84A0]  }
0xb0: {  	v13 =	vld [tilespmem:s18+$0x84B0]  }
0xb1: {  	v14 =	vld [tilespmem:s18+$0x84C0]  }
0xb2: {  	v15 =	vld [tilespmem:s18+$0x84D0]  }
0xb3: {  	v1 =	vld [tilespmem:s18+$0x84E0]  }
0xb4: {  	[tilespmem:s18+$0xA400] =	vst.add.f32.msk $0xffff, v2  }
0xb5: {  	[tilespmem:s18+$0xA410] =	vst.add.f32.msk $0xffff, v3  }
0xb6: {  	[tilespmem:s18+$0xA420] =	vst.add.f32.msk $0xffff, v4  }
0xb7: {  	[tilespmem:s18+$0xA430] =	vst.add.f32.msk $0xffff, v5  }
0xb8: {  	[tilespmem:s18+$0xA440] =	vst.add.f32.msk $0xffff, v6  }
0xb9: {  	[tilespmem:s18+$0xA450] =	vst.add.f32.msk $0xffff, v7  }
0xba: {  	[tilespmem:s18+$0xA460] =	vst.add.f32.msk $0xffff, v8  }
0xbb: {  	[tilespmem:s18+$0xA470] =	vst.add.f32.msk $0xffff, v9  }
0xbc: {  	[tilespmem:s18+$0xA480] =	vst.add.f32.msk $0xffff, v10  }
.Ltmp4:
0xbd: {  	[tilespmem:s18+$0xA490] =	vst.add.f32.msk $0xffff, v11;
	(pc) =	sbr.rel @p1 .LBB2_7-.Ltmp4, $4  }
0xbe: {  	[tilespmem:s18+$0xA4A0] =	vst.add.f32.msk $0xffff, v12  }
0xbf: {  	[tilespmem:s18+$0xA4B0] =	vst.add.f32.msk $0xffff, v13  }
0xc0: {  	[tilespmem:s18+$0xA4C0] =	vst.add.f32.msk $0xffff, v14  }
0xc1: {  	s20 =	sadd.s32 $0x400, s20;
	[tilespmem:s18+$0xA4D0] =	vst.add.f32.msk $0xffff, v15  }
.Ltmp5:
0xc2: {  	(pc) =	sbr.rel @p0 .LBB2_10-.Ltmp5, $2  }
0xc3: {  	_ =	sdelay $0x2  }
0xc4: {  	[tilespmem:s18+$0xA4E0] =	vst.add.f32.msk $0xffff, v1  }
.Ltmp6:
0xc5: {  	(pc) =	sbr.rel .LBB2_4-.Ltmp6, $4  }
0xc6: {  	_ = 	snop  }
0xc7: {  	s17 =	sshrl.u32 s17, $0x2  }
0xc8: {  	s16 =	sadd.s32 $0x1, s16;
	s17 =	sadd.s32 $0x180, s17  }
0xc9: {  	[tilespmem:s11], [sflag:$0x2] =	stream.indirect.gather [hbm4b:s3+s7], $0x40, s17, s7, $0xb8;
	[tilespmem:$0xC400] =	vst v63  }
.LBB2_11:
0xca: {  	_ =	sfence.sel $0x180000  }
0xcb: {  	[bflag:$0x0] =	sbarrier.arrive $0xFFFF  }
0xcc: {  	p0 =	sne.s32 s0, $0x0;
	_ =	strace $0x90000047  }
0xcd: {  	s0 =	sadd.s32 @!p0 $0x100000, s1;
	[bflag:$0x2] =	sbarrier.arrive $0xFFFF  }
0xce: {  	[sflag:s0] =	ssyncadd.tile.s32 @!p0 $0x1;
	_ =	shalt  }
.Lfunc_end2:
_tile_overlayer_lowered:
.L_overlay_start_2:
0xcf: {  	(tag) =	ssettag $0x2  }
0xd0: {  	s0 =	rddreg [dreg:$0x0];
	s2 =	stileid.u32  }
0xd1: {  	s1 =	rddreg [dreg:$0x1];
	p0 =	sne.s32 s2, $0x0  }
0xd2: {  	s3 =	rddreg [dreg:$0x2];
	[bflag:$0x3] =	sbarrier.arrive $0xFFFF;
	s2 =	simm.s32 @!p0 $0x1C03  }
0xd3: {  	[timem:s3], [sflag:s2] =	dma.local @!p0 [hbm:s0], s1  }
0xd4: {  	s0 =	simm.s32 @!p0 $0x3  }
0xd5: {  	_ =	swait.ge @!p0 [sflag:s0], s1  }
0xd6: {  	s1 =	ssub.s32 @!p0 $0x0, s1;
	[sflag:s0] =	ssyncset.done @!p0 $0x0  }
0xd7: {  	[sflag:s0] =	ssyncadd.s32 @!p0 s1  }
0xd8: {  	[bflag:$0x3] =	sbarrier.arrive $0xFFFF  }
0xd9: {  	_ =	shalt  }

</sc_bundles>
